<compile_context>
chip_gen: v7x
topology: tpu7x:2x2x1
jax: 0.10.2.dev20260603
libtpu: 0.0.44.dev20260713+nightly
codegen_flags: <defaults>
</compile_context>

<pallas_src>
import functools
import math

import jax
import jax.numpy as jnp
from jax import lax
from jax.experimental import pallas as pl
from jax.experimental.pallas import tpu as pltpu
from jax.experimental.pallas import tpu_sc as plsc

_SQRT2 = math.sqrt(2.0)


def _gelu(v):
    return 0.5 * v * (1.0 + lax.erf(v / _SQRT2))


def _tc1_body(nf, ew, w0, b0, w1, b1, wp0, bp0, wp1, bp1, x_out, prep_out, s_out):
    x = _gelu(jnp.dot(nf[...], w0[...], preferred_element_type=jnp.float32) + b0[...])
    x = _gelu(jnp.dot(x, w1[...], preferred_element_type=jnp.float32) + b1[...])
    x_out[...] = x
    p = _gelu(jnp.dot(x, wp0[...], preferred_element_type=jnp.float32) + bp0[...])
    p = _gelu(jnp.dot(p, wp1[...], preferred_element_type=jnp.float32) + bp1[...])
    prep_out[...] = p
    s_out[...] = jnp.sum(ew[...], keepdims=True).reshape(1, 1)


_SC_CORES = 2
_SC_SUBCORES = 16
_SUB = 128
_CHUNK = 1024
_NSUB = _CHUNK // _SUB


def _sc_edge_kernel(n_nodes, n_edges, h):
    n_chunks = n_edges // _CHUNK
    n_cores, n_sub = _SC_CORES, _SC_SUBCORES
    mesh = plsc.VectorSubcoreMesh(core_axis_name="c", subcore_axis_name="s",
                                  num_cores=n_cores, num_subcores=n_sub)
    n_workers = n_cores * n_sub
    rpt = (-(-n_nodes // n_sub) + 7) // 8 * 8
    rpt_last = n_nodes - rpt * (n_sub - 1)
    assert rpt % 8 == 0 and rpt_last > 0

    @functools.partial(
        pl.kernel,
        mesh=mesh,
        out_type=[
            jax.ShapeDtypeStruct((n_nodes, h), jnp.float32),
            jax.ShapeDtypeStruct((n_nodes, h), jnp.float32),
        ],
        scratch_types=[
            pltpu.VMEM((_NSUB, _SUB), jnp.int32),
            pltpu.VMEM((_NSUB, _SUB), jnp.int32),
            pltpu.VMEM((_CHUNK,), jnp.float32),
            pltpu.VMEM((_CHUNK, h), jnp.float32),
            pltpu.VMEM_SHARED((n_nodes, h), jnp.float32),
            pltpu.SemaphoreType.DMA,
            pltpu.SemaphoreType.DMA,
            pltpu.SemaphoreType.DMA,
        ],
        compiler_params=pltpu.CompilerParams(needs_layout_passes=False, use_tc_tiling_on_sc=False),
    )
    def edge_kernel(src_hbm, dst_hbm, ew_hbm, prep_hbm, zeros_hbm,
                    out0, out1, src_v, dst_v, ew_v, rows_v, agg_sh, sem,
                    isem, ssem):
        cid = lax.axis_index("c")
        sid = lax.axis_index("s")
        wid = sid * n_cores + cid

        base = pl.multiple_of(sid * rpt, 8)

        @pl.when(sid < n_sub - 1)
        def _():
            pltpu.sync_copy(zeros_hbm.at[pl.ds(base, rpt)],
                            agg_sh.at[pl.ds(base, rpt)])

        @pl.when(sid == n_sub - 1)
        def _():
            pltpu.sync_copy(zeros_hbm.at[pl.ds(rpt * (n_sub - 1), rpt_last)],
                            agg_sh.at[pl.ds(rpt * (n_sub - 1), rpt_last)])

        plsc.subcore_barrier()

        def do_chunk(i, _):
            chunk = wid + i * n_workers
            r0 = pl.multiple_of(chunk * _NSUB, _NSUB)
            e0 = pl.multiple_of(chunk * _CHUNK, _CHUNK)
            idescs = [
                pltpu.make_async_copy(src_hbm.at[pl.ds(r0, _NSUB)], src_v, isem),
                pltpu.make_async_copy(dst_hbm.at[pl.ds(r0, _NSUB)], dst_v, isem),
                pltpu.make_async_copy(ew_hbm.at[pl.ds(e0, _CHUNK)], ew_v, isem),
            ]
            for d in idescs:
                d.start()
            for d in idescs:
                d.wait()
            descs = [pltpu.async_copy(prep_hbm.at[src_v.at[j]],
                                      rows_v.at[pl.ds(j * _SUB, _SUB)], sem)
                     for j in range(_NSUB)]
            for d in descs:
                d.wait()

            @plsc.parallel_loop(0, _CHUNK, unroll=8)
            def _scale(e):
                s = plsc.load_gather(ew_v, [jnp.full((16,), e, jnp.int32)])
                for c in range(h // 16):
                    col = pl.ds(c * 16, 16)
                    rows_v[e, col] = rows_v[e, col] * s

            sdescs = [pltpu.make_async_copy(rows_v.at[pl.ds(j * _SUB, _SUB)],
                                            agg_sh.at[dst_v.at[j]], ssem)
                      for j in range(_NSUB)]
            for d in sdescs:
                d.start(add=True)
            for d in sdescs:
                d.wait()
            return _

        n_mine = n_chunks // n_workers + jnp.where(wid < n_chunks % n_workers, 1, 0)
        lax.fori_loop(0, n_mine, do_chunk, 0)

        plsc.subcore_barrier()
        sl = pl.ds(base, rpt)
        sl_last = pl.ds(rpt * (n_sub - 1), rpt_last)

        @pl.when((cid == 0) & (sid < n_sub - 1))
        def _():
            pltpu.sync_copy(agg_sh.at[sl], out0.at[sl])

        @pl.when((cid == 0) & (sid == n_sub - 1))
        def _():
            pltpu.sync_copy(agg_sh.at[sl_last], out0.at[sl_last])

        @pl.when((cid == 1) & (sid < n_sub - 1))
        def _():
            pltpu.sync_copy(agg_sh.at[sl], out1.at[sl])

        @pl.when((cid == 1) & (sid == n_sub - 1))
        def _():
            pltpu.sync_copy(agg_sh.at[sl_last], out1.at[sl_last])

    return edge_kernel


def _tc2_body(x, a0, a1, s, wu0x, wu0a, bu0, wu1, bu1, wq0, bq0, wq1, bq1,
              wl, bl, out):
    xv = x[...]
    agg = (a0[...] + a1[...]) * (1.0 / s[...])
    u = _gelu(jnp.dot(xv, wu0x[...], preferred_element_type=jnp.float32)
              + jnp.dot(agg, wu0a[...], preferred_element_type=jnp.float32)
              + bu0[...])
    u = _gelu(jnp.dot(u, wu1[...], preferred_element_type=jnp.float32) + bu1[...])
    u = u * lax.rsqrt(jnp.maximum(jnp.sum(u * u, axis=-1, keepdims=True), 1e-12))
    xv = u + xv
    q = _gelu(jnp.dot(xv, wq0[...], preferred_element_type=jnp.float32) + bq0[...])
    q = _gelu(jnp.dot(q, wq1[...], preferred_element_type=jnp.float32) + bq1[...])
    out[...] = jnp.dot(q, wl[...], preferred_element_type=jnp.float32) + bl[...]


def _sc_gather_kernel(n_rows, d, b):
    n_cores, n_sub = _SC_CORES, _SC_SUBCORES
    mesh = plsc.VectorSubcoreMesh(core_axis_name="c", subcore_axis_name="s",
                                  num_cores=n_cores, num_subcores=n_sub)
    n_workers = n_cores * n_sub
    b_per_w = b // n_workers

    @functools.partial(
        pl.kernel,
        mesh=mesh,
        out_type=jax.ShapeDtypeStruct((b, d), jnp.float32),
        scratch_types=[
            pltpu.VMEM((b_per_w,), jnp.int32),
            pltpu.VMEM((b_per_w, d), jnp.float32),
            pltpu.SemaphoreType.DMA,
        ],
        compiler_params=pltpu.CompilerParams(needs_layout_passes=False, use_tc_tiling_on_sc=False),
    )
    def gather_kernel(table_hbm, idx_hbm, out_hbm, idx_v, rows_v, sem):
        wid = lax.axis_index("s") * n_cores + lax.axis_index("c")
        base = pl.multiple_of(wid * b_per_w, 8)
        pltpu.sync_copy(idx_hbm.at[pl.ds(base, b_per_w)], idx_v)
        pltpu.async_copy(table_hbm.at[idx_v], rows_v, sem).wait()
        pltpu.sync_copy(rows_v, out_hbm.at[pl.ds(base, b_per_w)])

    return gather_kernel


def kernel(node_features, edges, edge_weights, input_node_indices,
           W_pre0, b_pre0, W_pre1, b_pre1,
           W_prep0, b_prep0, W_prep1, b_prep1,
           W_upd0, b_upd0, W_upd1, b_upd1,
           W_post0, b_post0, W_post1, b_post1,
           W_log, b_log):
    n, df = node_features.shape
    e = edge_weights.shape[0]
    h = W_pre0.shape[1]
    nc = W_log.shape[1]
    b = input_node_indices.shape[0]

    ew2d = edge_weights.reshape(e // 128, 128)

    x, prep, s = pl.pallas_call(
        _tc1_body,
        out_shape=[
            jax.ShapeDtypeStruct((n, h), jnp.float32),
            jax.ShapeDtypeStruct((n, h), jnp.float32),
            jax.ShapeDtypeStruct((1, 1), jnp.float32),
        ],
    )(node_features, ew2d,
      W_pre0, b_pre0.reshape(1, h), W_pre1, b_pre1.reshape(1, h),
      W_prep0, b_prep0.reshape(1, h), W_prep1, b_prep1.reshape(1, h))

    grain = _SC_CORES * _SC_SUBCORES * _CHUNK
    e_pad = -(-e // grain) * grain
    pad = e_pad - e
    src = jnp.pad(edges[1].astype(jnp.int32), (0, pad)).reshape(-1, _SUB)
    dst = jnp.pad(edges[0].astype(jnp.int32), (0, pad)).reshape(-1, _SUB)
    ewp = jnp.pad(edge_weights, (0, pad))
    zeros = jnp.zeros((n, h), jnp.float32)
    agg0, agg1 = _sc_edge_kernel(n, e_pad, h)(src, dst, ewp, prep, zeros)

    logits_all = pl.pallas_call(
        _tc2_body,
        out_shape=jax.ShapeDtypeStruct((n, nc), jnp.float32),
    )(x, agg0, agg1, s,
      W_upd0[:h], W_upd0[h:], b_upd0.reshape(1, h),
      W_upd1, b_upd1.reshape(1, h),
      W_post0, b_post0.reshape(1, h), W_post1, b_post1.reshape(1, h),
      W_log, b_log.reshape(1, nc))

    idx = input_node_indices.astype(jnp.int32)
    return _sc_gather_kernel(n, nc, b)(logits_all, idx)

# --- scband reference (transcript-rebuilt; emitter-appended) ---
"""Pipeline reference for scband-gnnnode-classifier-88038239634290 (READ-ONLY COPY).

The authoritative reference and input builder live on the scoring server;
editing this copy changes nothing except your own understanding.
"""

import jax, jax.numpy as jnp
import numpy as np

N = 10000
E = 320000
DF = 128
H = 64
NC = 16
B = 1024

def _glorot(k, shape):
    fan_in, fan_out = shape
    s = jnp.sqrt(2.0 / (fan_in + fan_out))
    return (s * jax.random.normal(k, shape)).astype(jnp.float32)

def _ffn(x, W0, b0, W1, b1):
    # Dropout layers are identity at inference; Dense+gelu (exact, tf.nn.gelu default)
    x = jax.nn.gelu(x @ W0 + b0, approximate=False)
    x = jax.nn.gelu(x @ W1 + b1, approximate=False)
    return x

def setup_inputs(seed: int = 0):
    key = jax.random.key(seed)
    ks = jax.random.split(key, 32)
    inp = {}
    inp['node_features'] = jax.random.normal(ks[0], (N, DF), dtype=jnp.float32)
    inp['edges'] = jax.random.randint(ks[1], (2, E), 0, N)
    inp['edge_weights'] = jax.random.uniform(ks[2], (E,), dtype=jnp.float32)
    inp['input_node_indices'] = jax.random.randint(ks[3], (B,), 0, N)
    shapes = {
        'W_pre0': (DF, H), 'W_pre1': (H, H),
        'W_prep0': (H, H), 'W_prep1': (H, H),
        'W_upd0': (2 * H, H), 'W_upd1': (H, H),
        'W_post0': (H, H), 'W_post1': (H, H),
        'W_log': (H, NC),
    }
    i = 4
    for name, shp in shapes.items():
        inp[name] = _glorot(ks[i], shp)
        inp[name.replace('W_', 'b_')] = jnp.zeros((shp[1],), dtype=jnp.float32)
        i += 1
    return inp

def reference(node_features, edges, edge_weights, input_node_indices,
              W_pre0, b_pre0, W_pre1, b_pre1,
              W_prep0, b_prep0, W_prep1, b_prep1,
              W_upd0, b_upd0, W_upd1, b_upd1,
              W_post0, b_post0, W_post1, b_post1,
              W_log, b_log):
    # __init__: normalize edge weights by their sum
    ew = edge_weights / jnp.sum(edge_weights)
    # preprocess ffn
    x = _ffn(node_features, W_pre0, b_pre0, W_pre1, b_pre1)
    node_idx = edges[0]
    nb_idx = edges[1]
    # gather neighbour representations
    nb = jnp.take(x, nb_idx, axis=0)
    # prepare messages
    msgs = _ffn(nb, W_prep0, b_prep0, W_prep1, b_prep1) * ew[:, None]
    # aggregate: unsorted_segment_sum
    agg = jax.ops.segment_sum(msgs, node_idx, num_segments=N)
    # update
    h = jnp.concatenate([x, agg], axis=1)
    upd = _ffn(h, W_upd0, b_upd0, W_upd1, b_upd1)
    # l2 normalize (tf.nn.l2_normalize semantics)
    upd = upd * jax.lax.rsqrt(jnp.maximum(jnp.sum(upd * upd, axis=-1, keepdims=True), 1e-12))
    # skip connection
    x = upd + x
    # postprocess
    x = _ffn(x, W_post0, b_post0, W_post1, b_post1)
    # gather queried nodes and compute logits
    emb = jnp.take(x, input_node_indices, axis=0)
    return emb @ W_log + b_log

if __name__ == "__main__":
    import jax
    _d = setup_inputs()
    print(jax.jit(kernel)(*tuple(_d.values())))

</pallas_src>

<mosaic_0001>
#map = affine_map<(d0, d1) -> (0, 0)>
#map1 = affine_map<(d0, d1) -> (0)>
module attributes {stable_mosaic.version = 14 : i64} {
  func.func @edge_kernel(%arg0: i32, %arg1: i32, %arg2: memref<2560x128xi32, #tpu.memory_space<hbm>>, %arg3: memref<2560x128xi32, #tpu.memory_space<hbm>>, %arg4: memref<327680xf32, #tpu.memory_space<hbm>>, %arg5: memref<10000x64xf32, #tpu.memory_space<hbm>>, %arg6: memref<10000x64xf32, #tpu.memory_space<hbm>>, %arg7: memref<10000x64xf32, #tpu.memory_space<hbm>>, %arg8: memref<10000x64xf32, #tpu.memory_space<hbm>>, %arg9: memref<8x128xi32, #tpu.memory_space<vmem>>, %arg10: memref<8x128xi32, #tpu.memory_space<vmem>>, %arg11: memref<1024xf32, #tpu.memory_space<vmem>>, %arg12: memref<1024x64xf32, #tpu.memory_space<vmem>>, %arg13: memref<10000x64xf32, #tpu.memory_space<vmem_shared>>, %arg14: memref<!tpu.dma_semaphore, #tpu.memory_space<semaphore_mem>>, %arg15: memref<!tpu.dma_semaphore, #tpu.memory_space<semaphore_mem>>, %arg16: memref<!tpu.dma_semaphore, #tpu.memory_space<semaphore_mem>>) attributes {dimension_semantics = [#tpu.dimension_semantics<core_parallel>, #tpu.dimension_semantics<subcore_parallel>], iteration_bounds = array<i64: 2, 16>, scalar_prefetch = 0 : i64, scratch_operands = 8 : i64, tpu.core_type = #tpu.core_type<sc_vector_subcore>, window_params = [{transform_indices = #map}, {transform_indices = #map}, {transform_indices = #map1}, {transform_indices = #map}, {transform_indices = #map}, {transform_indices = #map}, {transform_indices = #map}]} {
    %mul3A = arith.constant 2 : i32
    %mul3A_0 = arith.muli %arg1, %mul3A : i32
    %add3A = arith.addi %mul3A_0, %arg0 : i32
    %mul3A_1 = arith.constant 632 : i32
    %mul3A_2 = arith.muli %arg1, %mul3A_1 : i32
    %multiple_of3A = tpu.assume_multiple %mul3A_2, 8 : i32
    %lt3A = arith.constant 15 : i32
    %lt3A_3 = arith.cmpi slt, %arg1, %lt3A : i32
    %convert_element_type3A = arith.extui %lt3A_3 : i1 to i32
    %cond3A = arith.constant 0 : i32
    %cond3A_4 = arith.cmpi ne, %convert_element_type3A, %cond3A : i32
    scf.if %cond3A_4 {
      "tpu.region"() ({
        %run_scoped3A = tpu.sem_alloc : memref<!tpu.dma_semaphore, #tpu.memory_space<semaphore_mem>>
        %dma_start3A = arith.constant 0 : i32
        %dma_start3A_55 = tpu.memref_slice %arg13[%multiple_of3A, %dma_start3A] : memref<10000x64xf32, #tpu.memory_space<vmem_shared>> -> memref<632x64xf32, #tpu.memory_space<vmem_shared>>
        %dma_start3A_56 = arith.constant 0 : i32
        %dma_start3A_57 = tpu.memref_slice %arg6[%multiple_of3A, %dma_start3A_56] : memref<10000x64xf32, #tpu.memory_space<hbm>> -> memref<632x64xf32, #tpu.memory_space<hbm>>
        tpu.enqueue_dma source(%dma_start3A_57 : memref<632x64xf32, #tpu.memory_space<hbm>>) target(%dma_start3A_55 : memref<632x64xf32, #tpu.memory_space<vmem_shared>>) target_semaphore(%run_scoped3A : memref<!tpu.dma_semaphore, #tpu.memory_space<semaphore_mem>>)
        %dma_wait3A = arith.constant 0 : i32
        %dma_wait3A_58 = tpu.memref_slice %arg13[%multiple_of3A, %dma_wait3A] : memref<10000x64xf32, #tpu.memory_space<vmem_shared>> -> memref<632x64xf32, #tpu.memory_space<vmem_shared>>
        %dma_wait3A_59 = arith.constant 0 : i32
        %dma_wait3A_60 = tpu.memref_slice %arg6[%multiple_of3A, %dma_wait3A_59] : memref<10000x64xf32, #tpu.memory_space<hbm>> -> memref<632x64xf32, #tpu.memory_space<hbm>>
        tpu.wait_dma2 semaphore(%run_scoped3A : memref<!tpu.dma_semaphore, #tpu.memory_space<semaphore_mem>>) src(%dma_wait3A_60 : memref<632x64xf32, #tpu.memory_space<hbm>>) dst(%dma_wait3A_58 : memref<632x64xf32, #tpu.memory_space<vmem_shared>>)
        tpu.yield
      }) : () -> ()
    } else {
    }
    %eq3A = arith.constant 15 : i32
    %eq3A_5 = arith.cmpi eq, %arg1, %eq3A : i32
    %convert_element_type3A_6 = arith.extui %eq3A_5 : i1 to i32
    %cond3A_7 = arith.constant 0 : i32
    %cond3A_8 = arith.cmpi ne, %convert_element_type3A_6, %cond3A_7 : i32
    scf.if %cond3A_8 {
      "tpu.region"() ({
        %run_scoped3A = tpu.sem_alloc : memref<!tpu.dma_semaphore, #tpu.memory_space<semaphore_mem>>
        %dma_start3A = arith.constant 9480 : i32
        %dma_start3A_55 = arith.constant 0 : i32
        %dma_start3A_56 = tpu.memref_slice %arg13[%dma_start3A, %dma_start3A_55] : memref<10000x64xf32, #tpu.memory_space<vmem_shared>> -> memref<520x64xf32, #tpu.memory_space<vmem_shared>>
        %dma_start3A_57 = arith.constant 9480 : i32
        %dma_start3A_58 = arith.constant 0 : i32
        %dma_start3A_59 = tpu.memref_slice %arg6[%dma_start3A_57, %dma_start3A_58] : memref<10000x64xf32, #tpu.memory_space<hbm>> -> memref<520x64xf32, #tpu.memory_space<hbm>>
        tpu.enqueue_dma source(%dma_start3A_59 : memref<520x64xf32, #tpu.memory_space<hbm>>) target(%dma_start3A_56 : memref<520x64xf32, #tpu.memory_space<vmem_shared>>) target_semaphore(%run_scoped3A : memref<!tpu.dma_semaphore, #tpu.memory_space<semaphore_mem>>)
        %dma_wait3A = arith.constant 9480 : i32
        %dma_wait3A_60 = arith.constant 0 : i32
        %dma_wait3A_61 = tpu.memref_slice %arg13[%dma_wait3A, %dma_wait3A_60] : memref<10000x64xf32, #tpu.memory_space<vmem_shared>> -> memref<520x64xf32, #tpu.memory_space<vmem_shared>>
        %dma_wait3A_62 = arith.constant 9480 : i32
        %dma_wait3A_63 = arith.constant 0 : i32
        %dma_wait3A_64 = tpu.memref_slice %arg6[%dma_wait3A_62, %dma_wait3A_63] : memref<10000x64xf32, #tpu.memory_space<hbm>> -> memref<520x64xf32, #tpu.memory_space<hbm>>
        tpu.wait_dma2 semaphore(%run_scoped3A : memref<!tpu.dma_semaphore, #tpu.memory_space<semaphore_mem>>) src(%dma_wait3A_64 : memref<520x64xf32, #tpu.memory_space<hbm>>) dst(%dma_wait3A_61 : memref<520x64xf32, #tpu.memory_space<vmem_shared>>)
        tpu.yield
      }) : () -> ()
    } else {
    }
    %barrier3A = arith.constant 0 : index
    tpu.barrier barrier_id(%barrier3A)
    %lt3A_9 = arith.constant 0 : i32
    %lt3A_10 = arith.cmpi slt, %add3A, %lt3A_9 : i32
    %jit3A = arith.constant 1 : i32
    %jit3A_11 = arith.constant 0 : i32
    %select_n3A = arith.select %lt3A_10, %jit3A, %jit3A_11 : i32
    %add3A_12 = arith.constant 10 : i32
    %add3A_13 = arith.addi %add3A_12, %select_n3A : i32
    %while3A = arith.constant 0 : i32
    %while3A_14 = arith.constant 0 : i32
    %while3A_15 = arith.subi %add3A_13, %while3A_14 : i32
    %while3A_16 = arith.addi %while3A_14, %while3A_15 : i32
    %while3A_17 = arith.constant 1 : i32
    %while3A_18 = arith.divsi %while3A_15, %while3A_17 : i32
    %while3A_19 = arith.muli %while3A_18, %while3A_17 : i32
    %while3A_20 = arith.addi %while3A_14, %while3A_19 : i32
    %while3A_21 = arith.constant 1 : i32
    scf.for %while3A_55 = %while3A_14 to %while3A_20 step %while3A_21  : i32 {
      %mul3A_56 = arith.constant 32 : i32
      %mul3A_57 = arith.muli %while3A_55, %mul3A_56 : i32
      %add3A_58 = arith.addi %add3A, %mul3A_57 : i32
      %mul3A_59 = arith.constant 8 : i32
      %mul3A_60 = arith.muli %add3A_58, %mul3A_59 : i32
      %multiple_of3A_61 = tpu.assume_multiple %mul3A_60, 8 : i32
      %mul3A_62 = arith.constant 1024 : i32
      %mul3A_63 = arith.muli %add3A_58, %mul3A_62 : i32
      %multiple_of3A_64 = tpu.assume_multiple %mul3A_63, 1024 : i32
      %dma_start3A = arith.constant 0 : i32
      %dma_start3A_65 = tpu.memref_slice %arg2[%multiple_of3A_61, %dma_start3A] : memref<2560x128xi32, #tpu.memory_space<hbm>> -> memref<8x128xi32, #tpu.memory_space<hbm>>
      %dma_start3A_66 = arith.constant 0 : i32
      %dma_start3A_67 = tpu.memref_slice %arg2[%multiple_of3A_61, %dma_start3A_66] : memref<2560x128xi32, #tpu.memory_space<hbm>> -> memref<8x128xi32, #tpu.memory_space<hbm>>
      tpu.enqueue_dma source(%dma_start3A_67 : memref<8x128xi32, #tpu.memory_space<hbm>>) target(%arg9 : memref<8x128xi32, #tpu.memory_space<vmem>>) target_semaphore(%arg15 : memref<!tpu.dma_semaphore, #tpu.memory_space<semaphore_mem>>)
      %dma_start3A_68 = arith.constant 0 : i32
      %dma_start3A_69 = tpu.memref_slice %arg3[%multiple_of3A_61, %dma_start3A_68] : memref<2560x128xi32, #tpu.memory_space<hbm>> -> memref<8x128xi32, #tpu.memory_space<hbm>>
      %dma_start3A_70 = arith.constant 0 : i32
      %dma_start3A_71 = tpu.memref_slice %arg3[%multiple_of3A_61, %dma_start3A_70] : memref<2560x128xi32, #tpu.memory_space<hbm>> -> memref<8x128xi32, #tpu.memory_space<hbm>>
      tpu.enqueue_dma source(%dma_start3A_71 : memref<8x128xi32, #tpu.memory_space<hbm>>) target(%arg10 : memref<8x128xi32, #tpu.memory_space<vmem>>) target_semaphore(%arg15 : memref<!tpu.dma_semaphore, #tpu.memory_space<semaphore_mem>>)
      %dma_start3A_72 = tpu.memref_slice %arg4[%multiple_of3A_64] : memref<327680xf32, #tpu.memory_space<hbm>> -> memref<1024xf32, #tpu.memory_space<hbm>>
      %dma_start3A_73 = tpu.memref_slice %arg4[%multiple_of3A_64] : memref<327680xf32, #tpu.memory_space<hbm>> -> memref<1024xf32, #tpu.memory_space<hbm>>
      tpu.enqueue_dma source(%dma_start3A_73 : memref<1024xf32, #tpu.memory_space<hbm>>) target(%arg11 : memref<1024xf32, #tpu.memory_space<vmem>>) target_semaphore(%arg15 : memref<!tpu.dma_semaphore, #tpu.memory_space<semaphore_mem>>)
      %dma_wait3A = arith.constant 0 : i32
      %dma_wait3A_74 = tpu.memref_slice %arg2[%multiple_of3A_61, %dma_wait3A] : memref<2560x128xi32, #tpu.memory_space<hbm>> -> memref<8x128xi32, #tpu.memory_space<hbm>>
      %dma_wait3A_75 = arith.constant 0 : i32
      %dma_wait3A_76 = tpu.memref_slice %arg2[%multiple_of3A_61, %dma_wait3A_75] : memref<2560x128xi32, #tpu.memory_space<hbm>> -> memref<8x128xi32, #tpu.memory_space<hbm>>
      tpu.wait_dma2 semaphore(%arg15 : memref<!tpu.dma_semaphore, #tpu.memory_space<semaphore_mem>>) src(%dma_wait3A_76 : memref<8x128xi32, #tpu.memory_space<hbm>>) dst(%arg9 : memref<8x128xi32, #tpu.memory_space<vmem>>)
      %dma_wait3A_77 = arith.constant 0 : i32
      %dma_wait3A_78 = tpu.memref_slice %arg3[%multiple_of3A_61, %dma_wait3A_77] : memref<2560x128xi32, #tpu.memory_space<hbm>> -> memref<8x128xi32, #tpu.memory_space<hbm>>
      %dma_wait3A_79 = arith.constant 0 : i32
      %dma_wait3A_80 = tpu.memref_slice %arg3[%multiple_of3A_61, %dma_wait3A_79] : memref<2560x128xi32, #tpu.memory_space<hbm>> -> memref<8x128xi32, #tpu.memory_space<hbm>>
      tpu.wait_dma2 semaphore(%arg15 : memref<!tpu.dma_semaphore, #tpu.memory_space<semaphore_mem>>) src(%dma_wait3A_80 : memref<8x128xi32, #tpu.memory_space<hbm>>) dst(%arg10 : memref<8x128xi32, #tpu.memory_space<vmem>>)
      %dma_wait3A_81 = tpu.memref_slice %arg4[%multiple_of3A_64] : memref<327680xf32, #tpu.memory_space<hbm>> -> memref<1024xf32, #tpu.memory_space<hbm>>
      %dma_wait3A_82 = tpu.memref_slice %arg4[%multiple_of3A_64] : memref<327680xf32, #tpu.memory_space<hbm>> -> memref<1024xf32, #tpu.memory_space<hbm>>
      tpu.wait_dma2 semaphore(%arg15 : memref<!tpu.dma_semaphore, #tpu.memory_space<semaphore_mem>>) src(%dma_wait3A_82 : memref<1024xf32, #tpu.memory_space<hbm>>) dst(%arg11 : memref<1024xf32, #tpu.memory_space<vmem>>)
      %dma_start3A_83 = arith.constant 0 : i32
      %dma_start3A_84 = arith.constant 0 : i32
      %dma_start3A_85 = arith.constant 0 : i32
      %dma_start3A_86 = tpu.memref_slice %arg12[%dma_start3A_84, %dma_start3A_85] : memref<1024x64xf32, #tpu.memory_space<vmem>> -> memref<128x64xf32, #tpu.memory_space<vmem>>
      %dma_start3A_87 = arith.constant 0 : i32
      %dma_start3A_88 = tpu.memref_slice %arg9[%dma_start3A_83, %dma_start3A_87] : memref<8x128xi32, #tpu.memory_space<vmem>> -> memref<1x128xi32, #tpu.memory_space<vmem>>
      %dma_start3A_89 = tpu.memref_squeeze %dma_start3A_88 : memref<1x128xi32, #tpu.memory_space<vmem>> -> memref<128xi32, #tpu.memory_space<vmem>>
      %dma_start3A_90 = arith.constant 0 : i32
      %dma_start3A_91 = arith.constant 0 : i32
      %dma_start3A_92 = tpu.memref_slice %arg5[%dma_start3A_90, %dma_start3A_91] : memref<10000x64xf32, #tpu.memory_space<hbm>> -> memref<10000x64xf32, #tpu.memory_space<hbm>>
      tpu.enqueue_indirect_dma source(%dma_start3A_92 : memref<10000x64xf32, #tpu.memory_space<hbm>>) target(%dma_start3A_86 : memref<128x64xf32, #tpu.memory_space<vmem>>) offsets(%dma_start3A_89 : memref<128xi32, #tpu.memory_space<vmem>>) semaphore(%arg14 : memref<!tpu.dma_semaphore, #tpu.memory_space<semaphore_mem>>)
      %dma_start3A_93 = arith.constant 1 : i32
      %dma_start3A_94 = arith.constant 128 : i32
      %dma_start3A_95 = arith.constant 0 : i32
      %dma_start3A_96 = tpu.memref_slice %arg12[%dma_start3A_94, %dma_start3A_95] : memref<1024x64xf32, #tpu.memory_space<vmem>> -> memref<128x64xf32, #tpu.memory_space<vmem>>
      %dma_start3A_97 = arith.constant 0 : i32
      %dma_start3A_98 = tpu.memref_slice %arg9[%dma_start3A_93, %dma_start3A_97] : memref<8x128xi32, #tpu.memory_space<vmem>> -> memref<1x128xi32, #tpu.memory_space<vmem>>
      %dma_start3A_99 = tpu.memref_squeeze %dma_start3A_98 : memref<1x128xi32, #tpu.memory_space<vmem>> -> memref<128xi32, #tpu.memory_space<vmem>>
      %dma_start3A_100 = arith.constant 0 : i32
      %dma_start3A_101 = arith.constant 0 : i32
      %dma_start3A_102 = tpu.memref_slice %arg5[%dma_start3A_100, %dma_start3A_101] : memref<10000x64xf32, #tpu.memory_space<hbm>> -> memref<10000x64xf32, #tpu.memory_space<hbm>>
      tpu.enqueue_indirect_dma source(%dma_start3A_102 : memref<10000x64xf32, #tpu.memory_space<hbm>>) target(%dma_start3A_96 : memref<128x64xf32, #tpu.memory_space<vmem>>) offsets(%dma_start3A_99 : memref<128xi32, #tpu.memory_space<vmem>>) semaphore(%arg14 : memref<!tpu.dma_semaphore, #tpu.memory_space<semaphore_mem>>)
      %dma_start3A_103 = arith.constant 2 : i32
      %dma_start3A_104 = arith.constant 256 : i32
      %dma_start3A_105 = arith.constant 0 : i32
      %dma_start3A_106 = tpu.memref_slice %arg12[%dma_start3A_104, %dma_start3A_105] : memref<1024x64xf32, #tpu.memory_space<vmem>> -> memref<128x64xf32, #tpu.memory_space<vmem>>
      %dma_start3A_107 = arith.constant 0 : i32
      %dma_start3A_108 = tpu.memref_slice %arg9[%dma_start3A_103, %dma_start3A_107] : memref<8x128xi32, #tpu.memory_space<vmem>> -> memref<1x128xi32, #tpu.memory_space<vmem>>
      %dma_start3A_109 = tpu.memref_squeeze %dma_start3A_108 : memref<1x128xi32, #tpu.memory_space<vmem>> -> memref<128xi32, #tpu.memory_space<vmem>>
      %dma_start3A_110 = arith.constant 0 : i32
      %dma_start3A_111 = arith.constant 0 : i32
      %dma_start3A_112 = tpu.memref_slice %arg5[%dma_start3A_110, %dma_start3A_111] : memref<10000x64xf32, #tpu.memory_space<hbm>> -> memref<10000x64xf32, #tpu.memory_space<hbm>>
      tpu.enqueue_indirect_dma source(%dma_start3A_112 : memref<10000x64xf32, #tpu.memory_space<hbm>>) target(%dma_start3A_106 : memref<128x64xf32, #tpu.memory_space<vmem>>) offsets(%dma_start3A_109 : memref<128xi32, #tpu.memory_space<vmem>>) semaphore(%arg14 : memref<!tpu.dma_semaphore, #tpu.memory_space<semaphore_mem>>)
      %dma_start3A_113 = arith.constant 3 : i32
      %dma_start3A_114 = arith.constant 384 : i32
      %dma_start3A_115 = arith.constant 0 : i32
      %dma_start3A_116 = tpu.memref_slice %arg12[%dma_start3A_114, %dma_start3A_115] : memref<1024x64xf32, #tpu.memory_space<vmem>> -> memref<128x64xf32, #tpu.memory_space<vmem>>
      %dma_start3A_117 = arith.constant 0 : i32
      %dma_start3A_118 = tpu.memref_slice %arg9[%dma_start3A_113, %dma_start3A_117] : memref<8x128xi32, #tpu.memory_space<vmem>> -> memref<1x128xi32, #tpu.memory_space<vmem>>
      %dma_start3A_119 = tpu.memref_squeeze %dma_start3A_118 : memref<1x128xi32, #tpu.memory_space<vmem>> -> memref<128xi32, #tpu.memory_space<vmem>>
      %dma_start3A_120 = arith.constant 0 : i32
      %dma_start3A_121 = arith.constant 0 : i32
      %dma_start3A_122 = tpu.memref_slice %arg5[%dma_start3A_120, %dma_start3A_121] : memref<10000x64xf32, #tpu.memory_space<hbm>> -> memref<10000x64xf32, #tpu.memory_space<hbm>>
      tpu.enqueue_indirect_dma source(%dma_start3A_122 : memref<10000x64xf32, #tpu.memory_space<hbm>>) target(%dma_start3A_116 : memref<128x64xf32, #tpu.memory_space<vmem>>) offsets(%dma_start3A_119 : memref<128xi32, #tpu.memory_space<vmem>>) semaphore(%arg14 : memref<!tpu.dma_semaphore, #tpu.memory_space<semaphore_mem>>)
      %dma_start3A_123 = arith.constant 4 : i32
      %dma_start3A_124 = arith.constant 512 : i32
      %dma_start3A_125 = arith.constant 0 : i32
      %dma_start3A_126 = tpu.memref_slice %arg12[%dma_start3A_124, %dma_start3A_125] : memref<1024x64xf32, #tpu.memory_space<vmem>> -> memref<128x64xf32, #tpu.memory_space<vmem>>
      %dma_start3A_127 = arith.constant 0 : i32
      %dma_start3A_128 = tpu.memref_slice %arg9[%dma_start3A_123, %dma_start3A_127] : memref<8x128xi32, #tpu.memory_space<vmem>> -> memref<1x128xi32, #tpu.memory_space<vmem>>
      %dma_start3A_129 = tpu.memref_squeeze %dma_start3A_128 : memref<1x128xi32, #tpu.memory_space<vmem>> -> memref<128xi32, #tpu.memory_space<vmem>>
      %dma_start3A_130 = arith.constant 0 : i32
      %dma_start3A_131 = arith.constant 0 : i32
      %dma_start3A_132 = tpu.memref_slice %arg5[%dma_start3A_130, %dma_start3A_131] : memref<10000x64xf32, #tpu.memory_space<hbm>> -> memref<10000x64xf32, #tpu.memory_space<hbm>>
      tpu.enqueue_indirect_dma source(%dma_start3A_132 : memref<10000x64xf32, #tpu.memory_space<hbm>>) target(%dma_start3A_126 : memref<128x64xf32, #tpu.memory_space<vmem>>) offsets(%dma_start3A_129 : memref<128xi32, #tpu.memory_space<vmem>>) semaphore(%arg14 : memref<!tpu.dma_semaphore, #tpu.memory_space<semaphore_mem>>)
      %dma_start3A_133 = arith.constant 5 : i32
      %dma_start3A_134 = arith.constant 640 : i32
      %dma_start3A_135 = arith.constant 0 : i32
      %dma_start3A_136 = tpu.memref_slice %arg12[%dma_start3A_134, %dma_start3A_135] : memref<1024x64xf32, #tpu.memory_space<vmem>> -> memref<128x64xf32, #tpu.memory_space<vmem>>
      %dma_start3A_137 = arith.constant 0 : i32
      %dma_start3A_138 = tpu.memref_slice %arg9[%dma_start3A_133, %dma_start3A_137] : memref<8x128xi32, #tpu.memory_space<vmem>> -> memref<1x128xi32, #tpu.memory_space<vmem>>
      %dma_start3A_139 = tpu.memref_squeeze %dma_start3A_138 : memref<1x128xi32, #tpu.memory_space<vmem>> -> memref<128xi32, #tpu.memory_space<vmem>>
      %dma_start3A_140 = arith.constant 0 : i32
      %dma_start3A_141 = arith.constant 0 : i32
      %dma_start3A_142 = tpu.memref_slice %arg5[%dma_start3A_140, %dma_start3A_141] : memref<10000x64xf32, #tpu.memory_space<hbm>> -> memref<10000x64xf32, #tpu.memory_space<hbm>>
      tpu.enqueue_indirect_dma source(%dma_start3A_142 : memref<10000x64xf32, #tpu.memory_space<hbm>>) target(%dma_start3A_136 : memref<128x64xf32, #tpu.memory_space<vmem>>) offsets(%dma_start3A_139 : memref<128xi32, #tpu.memory_space<vmem>>) semaphore(%arg14 : memref<!tpu.dma_semaphore, #tpu.memory_space<semaphore_mem>>)
      %dma_start3A_143 = arith.constant 6 : i32
      %dma_start3A_144 = arith.constant 768 : i32
      %dma_start3A_145 = arith.constant 0 : i32
      %dma_start3A_146 = tpu.memref_slice %arg12[%dma_start3A_144, %dma_start3A_145] : memref<1024x64xf32, #tpu.memory_space<vmem>> -> memref<128x64xf32, #tpu.memory_space<vmem>>
      %dma_start3A_147 = arith.constant 0 : i32
      %dma_start3A_148 = tpu.memref_slice %arg9[%dma_start3A_143, %dma_start3A_147] : memref<8x128xi32, #tpu.memory_space<vmem>> -> memref<1x128xi32, #tpu.memory_space<vmem>>
      %dma_start3A_149 = tpu.memref_squeeze %dma_start3A_148 : memref<1x128xi32, #tpu.memory_space<vmem>> -> memref<128xi32, #tpu.memory_space<vmem>>
      %dma_start3A_150 = arith.constant 0 : i32
      %dma_start3A_151 = arith.constant 0 : i32
      %dma_start3A_152 = tpu.memref_slice %arg5[%dma_start3A_150, %dma_start3A_151] : memref<10000x64xf32, #tpu.memory_space<hbm>> -> memref<10000x64xf32, #tpu.memory_space<hbm>>
      tpu.enqueue_indirect_dma source(%dma_start3A_152 : memref<10000x64xf32, #tpu.memory_space<hbm>>) target(%dma_start3A_146 : memref<128x64xf32, #tpu.memory_space<vmem>>) offsets(%dma_start3A_149 : memref<128xi32, #tpu.memory_space<vmem>>) semaphore(%arg14 : memref<!tpu.dma_semaphore, #tpu.memory_space<semaphore_mem>>)
      %dma_start3A_153 = arith.constant 7 : i32
      %dma_start3A_154 = arith.constant 896 : i32
      %dma_start3A_155 = arith.constant 0 : i32
      %dma_start3A_156 = tpu.memref_slice %arg12[%dma_start3A_154, %dma_start3A_155] : memref<1024x64xf32, #tpu.memory_space<vmem>> -> memref<128x64xf32, #tpu.memory_space<vmem>>
      %dma_start3A_157 = arith.constant 0 : i32
      %dma_start3A_158 = tpu.memref_slice %arg9[%dma_start3A_153, %dma_start3A_157] : memref<8x128xi32, #tpu.memory_space<vmem>> -> memref<1x128xi32, #tpu.memory_space<vmem>>
      %dma_start3A_159 = tpu.memref_squeeze %dma_start3A_158 : memref<1x128xi32, #tpu.memory_space<vmem>> -> memref<128xi32, #tpu.memory_space<vmem>>
      %dma_start3A_160 = arith.constant 0 : i32
      %dma_start3A_161 = arith.constant 0 : i32
      %dma_start3A_162 = tpu.memref_slice %arg5[%dma_start3A_160, %dma_start3A_161] : memref<10000x64xf32, #tpu.memory_space<hbm>> -> memref<10000x64xf32, #tpu.memory_space<hbm>>
      tpu.enqueue_indirect_dma source(%dma_start3A_162 : memref<10000x64xf32, #tpu.memory_space<hbm>>) target(%dma_start3A_156 : memref<128x64xf32, #tpu.memory_space<vmem>>) offsets(%dma_start3A_159 : memref<128xi32, #tpu.memory_space<vmem>>) semaphore(%arg14 : memref<!tpu.dma_semaphore, #tpu.memory_space<semaphore_mem>>)
      %dma_wait3A_163 = arith.constant 0 : i32
      %dma_wait3A_164 = arith.constant 0 : i32
      %dma_wait3A_165 = arith.constant 0 : i32
      %dma_wait3A_166 = tpu.memref_slice %arg12[%dma_wait3A_164, %dma_wait3A_165] : memref<1024x64xf32, #tpu.memory_space<vmem>> -> memref<128x64xf32, #tpu.memory_space<vmem>>
      %dma_wait3A_167 = arith.constant 0 : i32
      %dma_wait3A_168 = tpu.memref_slice %arg9[%dma_wait3A_163, %dma_wait3A_167] : memref<8x128xi32, #tpu.memory_space<vmem>> -> memref<1x128xi32, #tpu.memory_space<vmem>>
      %dma_wait3A_169 = tpu.memref_squeeze %dma_wait3A_168 : memref<1x128xi32, #tpu.memory_space<vmem>> -> memref<128xi32, #tpu.memory_space<vmem>>
      %dma_wait3A_170 = arith.constant 0 : i32
      %dma_wait3A_171 = arith.constant 0 : i32
      %dma_wait3A_172 = tpu.memref_slice %arg5[%dma_wait3A_170, %dma_wait3A_171] : memref<10000x64xf32, #tpu.memory_space<hbm>> -> memref<10000x64xf32, #tpu.memory_space<hbm>>
      tpu.wait_indirect_dma semaphore(%arg14 : memref<!tpu.dma_semaphore, #tpu.memory_space<semaphore_mem>>) src(%dma_wait3A_172 : memref<10000x64xf32, #tpu.memory_space<hbm>>) dst(%dma_wait3A_166 : memref<128x64xf32, #tpu.memory_space<vmem>>)
      %dma_wait3A_173 = arith.constant 1 : i32
      %dma_wait3A_174 = arith.constant 128 : i32
      %dma_wait3A_175 = arith.constant 0 : i32
      %dma_wait3A_176 = tpu.memref_slice %arg12[%dma_wait3A_174, %dma_wait3A_175] : memref<1024x64xf32, #tpu.memory_space<vmem>> -> memref<128x64xf32, #tpu.memory_space<vmem>>
      %dma_wait3A_177 = arith.constant 0 : i32
      %dma_wait3A_178 = tpu.memref_slice %arg9[%dma_wait3A_173, %dma_wait3A_177] : memref<8x128xi32, #tpu.memory_space<vmem>> -> memref<1x128xi32, #tpu.memory_space<vmem>>
      %dma_wait3A_179 = tpu.memref_squeeze %dma_wait3A_178 : memref<1x128xi32, #tpu.memory_space<vmem>> -> memref<128xi32, #tpu.memory_space<vmem>>
      %dma_wait3A_180 = arith.constant 0 : i32
      %dma_wait3A_181 = arith.constant 0 : i32
      %dma_wait3A_182 = tpu.memref_slice %arg5[%dma_wait3A_180, %dma_wait3A_181] : memref<10000x64xf32, #tpu.memory_space<hbm>> -> memref<10000x64xf32, #tpu.memory_space<hbm>>
      tpu.wait_indirect_dma semaphore(%arg14 : memref<!tpu.dma_semaphore, #tpu.memory_space<semaphore_mem>>) src(%dma_wait3A_182 : memref<10000x64xf32, #tpu.memory_space<hbm>>) dst(%dma_wait3A_176 : memref<128x64xf32, #tpu.memory_space<vmem>>)
      %dma_wait3A_183 = arith.constant 2 : i32
      %dma_wait3A_184 = arith.constant 256 : i32
      %dma_wait3A_185 = arith.constant 0 : i32
      %dma_wait3A_186 = tpu.memref_slice %arg12[%dma_wait3A_184, %dma_wait3A_185] : memref<1024x64xf32, #tpu.memory_space<vmem>> -> memref<128x64xf32, #tpu.memory_space<vmem>>
      %dma_wait3A_187 = arith.constant 0 : i32
      %dma_wait3A_188 = tpu.memref_slice %arg9[%dma_wait3A_183, %dma_wait3A_187] : memref<8x128xi32, #tpu.memory_space<vmem>> -> memref<1x128xi32, #tpu.memory_space<vmem>>
      %dma_wait3A_189 = tpu.memref_squeeze %dma_wait3A_188 : memref<1x128xi32, #tpu.memory_space<vmem>> -> memref<128xi32, #tpu.memory_space<vmem>>
      %dma_wait3A_190 = arith.constant 0 : i32
      %dma_wait3A_191 = arith.constant 0 : i32
      %dma_wait3A_192 = tpu.memref_slice %arg5[%dma_wait3A_190, %dma_wait3A_191] : memref<10000x64xf32, #tpu.memory_space<hbm>> -> memref<10000x64xf32, #tpu.memory_space<hbm>>
      tpu.wait_indirect_dma semaphore(%arg14 : memref<!tpu.dma_semaphore, #tpu.memory_space<semaphore_mem>>) src(%dma_wait3A_192 : memref<10000x64xf32, #tpu.memory_space<hbm>>) dst(%dma_wait3A_186 : memref<128x64xf32, #tpu.memory_space<vmem>>)
      %dma_wait3A_193 = arith.constant 3 : i32
      %dma_wait3A_194 = arith.constant 384 : i32
      %dma_wait3A_195 = arith.constant 0 : i32
      %dma_wait3A_196 = tpu.memref_slice %arg12[%dma_wait3A_194, %dma_wait3A_195] : memref<1024x64xf32, #tpu.memory_space<vmem>> -> memref<128x64xf32, #tpu.memory_space<vmem>>
      %dma_wait3A_197 = arith.constant 0 : i32
      %dma_wait3A_198 = tpu.memref_slice %arg9[%dma_wait3A_193, %dma_wait3A_197] : memref<8x128xi32, #tpu.memory_space<vmem>> -> memref<1x128xi32, #tpu.memory_space<vmem>>
      %dma_wait3A_199 = tpu.memref_squeeze %dma_wait3A_198 : memref<1x128xi32, #tpu.memory_space<vmem>> -> memref<128xi32, #tpu.memory_space<vmem>>
      %dma_wait3A_200 = arith.constant 0 : i32
      %dma_wait3A_201 = arith.constant 0 : i32
      %dma_wait3A_202 = tpu.memref_slice %arg5[%dma_wait3A_200, %dma_wait3A_201] : memref<10000x64xf32, #tpu.memory_space<hbm>> -> memref<10000x64xf32, #tpu.memory_space<hbm>>
      tpu.wait_indirect_dma semaphore(%arg14 : memref<!tpu.dma_semaphore, #tpu.memory_space<semaphore_mem>>) src(%dma_wait3A_202 : memref<10000x64xf32, #tpu.memory_space<hbm>>) dst(%dma_wait3A_196 : memref<128x64xf32, #tpu.memory_space<vmem>>)
      %dma_wait3A_203 = arith.constant 4 : i32
      %dma_wait3A_204 = arith.constant 512 : i32
      %dma_wait3A_205 = arith.constant 0 : i32
      %dma_wait3A_206 = tpu.memref_slice %arg12[%dma_wait3A_204, %dma_wait3A_205] : memref<1024x64xf32, #tpu.memory_space<vmem>> -> memref<128x64xf32, #tpu.memory_space<vmem>>
      %dma_wait3A_207 = arith.constant 0 : i32
      %dma_wait3A_208 = tpu.memref_slice %arg9[%dma_wait3A_203, %dma_wait3A_207] : memref<8x128xi32, #tpu.memory_space<vmem>> -> memref<1x128xi32, #tpu.memory_space<vmem>>
      %dma_wait3A_209 = tpu.memref_squeeze %dma_wait3A_208 : memref<1x128xi32, #tpu.memory_space<vmem>> -> memref<128xi32, #tpu.memory_space<vmem>>
      %dma_wait3A_210 = arith.constant 0 : i32
      %dma_wait3A_211 = arith.constant 0 : i32
      %dma_wait3A_212 = tpu.memref_slice %arg5[%dma_wait3A_210, %dma_wait3A_211] : memref<10000x64xf32, #tpu.memory_space<hbm>> -> memref<10000x64xf32, #tpu.memory_space<hbm>>
      tpu.wait_indirect_dma semaphore(%arg14 : memref<!tpu.dma_semaphore, #tpu.memory_space<semaphore_mem>>) src(%dma_wait3A_212 : memref<10000x64xf32, #tpu.memory_space<hbm>>) dst(%dma_wait3A_206 : memref<128x64xf32, #tpu.memory_space<vmem>>)
      %dma_wait3A_213 = arith.constant 5 : i32
      %dma_wait3A_214 = arith.constant 640 : i32
      %dma_wait3A_215 = arith.constant 0 : i32
      %dma_wait3A_216 = tpu.memref_slice %arg12[%dma_wait3A_214, %dma_wait3A_215] : memref<1024x64xf32, #tpu.memory_space<vmem>> -> memref<128x64xf32, #tpu.memory_space<vmem>>
      %dma_wait3A_217 = arith.constant 0 : i32
      %dma_wait3A_218 = tpu.memref_slice %arg9[%dma_wait3A_213, %dma_wait3A_217] : memref<8x128xi32, #tpu.memory_space<vmem>> -> memref<1x128xi32, #tpu.memory_space<vmem>>
      %dma_wait3A_219 = tpu.memref_squeeze %dma_wait3A_218 : memref<1x128xi32, #tpu.memory_space<vmem>> -> memref<128xi32, #tpu.memory_space<vmem>>
      %dma_wait3A_220 = arith.constant 0 : i32
      %dma_wait3A_221 = arith.constant 0 : i32
      %dma_wait3A_222 = tpu.memref_slice %arg5[%dma_wait3A_220, %dma_wait3A_221] : memref<10000x64xf32, #tpu.memory_space<hbm>> -> memref<10000x64xf32, #tpu.memory_space<hbm>>
      tpu.wait_indirect_dma semaphore(%arg14 : memref<!tpu.dma_semaphore, #tpu.memory_space<semaphore_mem>>) src(%dma_wait3A_222 : memref<10000x64xf32, #tpu.memory_space<hbm>>) dst(%dma_wait3A_216 : memref<128x64xf32, #tpu.memory_space<vmem>>)
      %dma_wait3A_223 = arith.constant 6 : i32
      %dma_wait3A_224 = arith.constant 768 : i32
      %dma_wait3A_225 = arith.constant 0 : i32
      %dma_wait3A_226 = tpu.memref_slice %arg12[%dma_wait3A_224, %dma_wait3A_225] : memref<1024x64xf32, #tpu.memory_space<vmem>> -> memref<128x64xf32, #tpu.memory_space<vmem>>
      %dma_wait3A_227 = arith.constant 0 : i32
      %dma_wait3A_228 = tpu.memref_slice %arg9[%dma_wait3A_223, %dma_wait3A_227] : memref<8x128xi32, #tpu.memory_space<vmem>> -> memref<1x128xi32, #tpu.memory_space<vmem>>
      %dma_wait3A_229 = tpu.memref_squeeze %dma_wait3A_228 : memref<1x128xi32, #tpu.memory_space<vmem>> -> memref<128xi32, #tpu.memory_space<vmem>>
      %dma_wait3A_230 = arith.constant 0 : i32
      %dma_wait3A_231 = arith.constant 0 : i32
      %dma_wait3A_232 = tpu.memref_slice %arg5[%dma_wait3A_230, %dma_wait3A_231] : memref<10000x64xf32, #tpu.memory_space<hbm>> -> memref<10000x64xf32, #tpu.memory_space<hbm>>
      tpu.wait_indirect_dma semaphore(%arg14 : memref<!tpu.dma_semaphore, #tpu.memory_space<semaphore_mem>>) src(%dma_wait3A_232 : memref<10000x64xf32, #tpu.memory_space<hbm>>) dst(%dma_wait3A_226 : memref<128x64xf32, #tpu.memory_space<vmem>>)
      %dma_wait3A_233 = arith.constant 7 : i32
      %dma_wait3A_234 = arith.constant 896 : i32
      %dma_wait3A_235 = arith.constant 0 : i32
      %dma_wait3A_236 = tpu.memref_slice %arg12[%dma_wait3A_234, %dma_wait3A_235] : memref<1024x64xf32, #tpu.memory_space<vmem>> -> memref<128x64xf32, #tpu.memory_space<vmem>>
      %dma_wait3A_237 = arith.constant 0 : i32
      %dma_wait3A_238 = tpu.memref_slice %arg9[%dma_wait3A_233, %dma_wait3A_237] : memref<8x128xi32, #tpu.memory_space<vmem>> -> memref<1x128xi32, #tpu.memory_space<vmem>>
      %dma_wait3A_239 = tpu.memref_squeeze %dma_wait3A_238 : memref<1x128xi32, #tpu.memory_space<vmem>> -> memref<128xi32, #tpu.memory_space<vmem>>
      %dma_wait3A_240 = arith.constant 0 : i32
      %dma_wait3A_241 = arith.constant 0 : i32
      %dma_wait3A_242 = tpu.memref_slice %arg5[%dma_wait3A_240, %dma_wait3A_241] : memref<10000x64xf32, #tpu.memory_space<hbm>> -> memref<10000x64xf32, #tpu.memory_space<hbm>>
      tpu.wait_indirect_dma semaphore(%arg14 : memref<!tpu.dma_semaphore, #tpu.memory_space<semaphore_mem>>) src(%dma_wait3A_242 : memref<10000x64xf32, #tpu.memory_space<hbm>>) dst(%dma_wait3A_236 : memref<128x64xf32, #tpu.memory_space<vmem>>)
      %parallel_loop3A = arith.constant 0 : i32
      %parallel_loop3A_243 = arith.constant 1024 : i32
      %parallel_loop3A_244 = arith.constant 1 : i32
      scf.for %parallel_loop3A_405 = %parallel_loop3A to %parallel_loop3A_243 step %parallel_loop3A_244  : i32 {
        %parallel_loop3A_406 = vector.broadcast %parallel_loop3A_405 : i32 to vector<16xi32>
        %parallel_loop3A_407 = tpu.vector_load_idx %arg11[%parallel_loop3A_406] : memref<1024xf32, #tpu.memory_space<vmem>>[vector<16xi32>], vector<16xf32>,
        %parallel_loop3A_408 = arith.index_cast %parallel_loop3A_405 : i32 to index
        %parallel_loop3A_409 = arith.constant 0 : index
        %parallel_loop3A_410 = tpu.vector_load %arg12[%parallel_loop3A_408, %parallel_loop3A_409] {strides = array<i32>} : memref<1024x64xf32, #tpu.memory_space<vmem>>, vector<16xf32>,
        %parallel_loop3A_411 = arith.mulf %parallel_loop3A_410, %parallel_loop3A_407 : vector<16xf32>
        %parallel_loop3A_412 = arith.index_cast %parallel_loop3A_405 : i32 to index
        %parallel_loop3A_413 = arith.constant 0 : index
        %parallel_loop3A_414 = tpu.vector_load %arg12[%parallel_loop3A_412, %parallel_loop3A_413] {strides = array<i32>} : memref<1024x64xf32, #tpu.memory_space<vmem>>, vector<16xf32>,
        tpu.vector_store %arg12[%parallel_loop3A_412, %parallel_loop3A_413], %parallel_loop3A_411 {strides = array<i32>} : memref<1024x64xf32, #tpu.memory_space<vmem>>, vector<16xf32>,
        %parallel_loop3A_415 = arith.index_cast %parallel_loop3A_405 : i32 to index
        %parallel_loop3A_416 = arith.constant 16 : index
        %parallel_loop3A_417 = tpu.vector_load %arg12[%parallel_loop3A_415, %parallel_loop3A_416] {strides = array<i32>} : memref<1024x64xf32, #tpu.memory_space<vmem>>, vector<16xf32>,
        %parallel_loop3A_418 = arith.mulf %parallel_loop3A_417, %parallel_loop3A_407 : vector<16xf32>
        %parallel_loop3A_419 = arith.index_cast %parallel_loop3A_405 : i32 to index
        %parallel_loop3A_420 = arith.constant 16 : index
        %parallel_loop3A_421 = tpu.vector_load %arg12[%parallel_loop3A_419, %parallel_loop3A_420] {strides = array<i32>} : memref<1024x64xf32, #tpu.memory_space<vmem>>, vector<16xf32>,
        tpu.vector_store %arg12[%parallel_loop3A_419, %parallel_loop3A_420], %parallel_loop3A_418 {strides = array<i32>} : memref<1024x64xf32, #tpu.memory_space<vmem>>, vector<16xf32>,
        %parallel_loop3A_422 = arith.index_cast %parallel_loop3A_405 : i32 to index
        %parallel_loop3A_423 = arith.constant 32 : index
        %parallel_loop3A_424 = tpu.vector_load %arg12[%parallel_loop3A_422, %parallel_loop3A_423] {strides = array<i32>} : memref<1024x64xf32, #tpu.memory_space<vmem>>, vector<16xf32>,
        %parallel_loop3A_425 = arith.mulf %parallel_loop3A_424, %parallel_loop3A_407 : vector<16xf32>
        %parallel_loop3A_426 = arith.index_cast %parallel_loop3A_405 : i32 to index
        %parallel_loop3A_427 = arith.constant 32 : index
        %parallel_loop3A_428 = tpu.vector_load %arg12[%parallel_loop3A_426, %parallel_loop3A_427] {strides = array<i32>} : memref<1024x64xf32, #tpu.memory_space<vmem>>, vector<16xf32>,
        tpu.vector_store %arg12[%parallel_loop3A_426, %parallel_loop3A_427], %parallel_loop3A_425 {strides = array<i32>} : memref<1024x64xf32, #tpu.memory_space<vmem>>, vector<16xf32>,
        %parallel_loop3A_429 = arith.index_cast %parallel_loop3A_405 : i32 to index
        %parallel_loop3A_430 = arith.constant 48 : index
        %parallel_loop3A_431 = tpu.vector_load %arg12[%parallel_loop3A_429, %parallel_loop3A_430] {strides = array<i32>} : memref<1024x64xf32, #tpu.memory_space<vmem>>, vector<16xf32>,
        %parallel_loop3A_432 = arith.mulf %parallel_loop3A_431, %parallel_loop3A_407 : vector<16xf32>
        %parallel_loop3A_433 = arith.index_cast %parallel_loop3A_405 : i32 to index
        %parallel_loop3A_434 = arith.constant 48 : index
        %parallel_loop3A_435 = tpu.vector_load %arg12[%parallel_loop3A_433, %parallel_loop3A_434] {strides = array<i32>} : memref<1024x64xf32, #tpu.memory_space<vmem>>, vector<16xf32>,
        tpu.vector_store %arg12[%parallel_loop3A_433, %parallel_loop3A_434], %parallel_loop3A_432 {strides = array<i32>} : memref<1024x64xf32, #tpu.memory_space<vmem>>, vector<16xf32>,
      } {sc.loop_unroll_factor = 8 : i64, sc.parallel_access}
      %dma_start3A_245 = arith.constant 0 : i32
      %dma_start3A_246 = arith.constant 0 : i32
      %dma_start3A_247 = arith.constant 0 : i32
      %dma_start3A_248 = tpu.memref_slice %arg12[%dma_start3A_246, %dma_start3A_247] : memref<1024x64xf32, #tpu.memory_space<vmem>> -> memref<128x64xf32, #tpu.memory_space<vmem>>
      %dma_start3A_249 = arith.constant 0 : i32
      %dma_start3A_250 = tpu.memref_slice %arg10[%dma_start3A_245, %dma_start3A_249] : memref<8x128xi32, #tpu.memory_space<vmem>> -> memref<1x128xi32, #tpu.memory_space<vmem>>
      %dma_start3A_251 = tpu.memref_squeeze %dma_start3A_250 : memref<1x128xi32, #tpu.memory_space<vmem>> -> memref<128xi32, #tpu.memory_space<vmem>>
      %dma_start3A_252 = arith.constant 0 : i32
      %dma_start3A_253 = arith.constant 0 : i32
      %dma_start3A_254 = tpu.memref_slice %arg13[%dma_start3A_252, %dma_start3A_253] : memref<10000x64xf32, #tpu.memory_space<vmem_shared>> -> memref<10000x64xf32, #tpu.memory_space<vmem_shared>>
      tpu.enqueue_indirect_dma source(%dma_start3A_248 : memref<128x64xf32, #tpu.memory_space<vmem>>) target(%dma_start3A_254 : memref<10000x64xf32, #tpu.memory_space<vmem_shared>>) offsets(%dma_start3A_251 : memref<128xi32, #tpu.memory_space<vmem>>) semaphore(%arg16 : memref<!tpu.dma_semaphore, #tpu.memory_space<semaphore_mem>>) {add = true}
      %dma_start3A_255 = arith.constant 1 : i32
      %dma_start3A_256 = arith.constant 128 : i32
      %dma_start3A_257 = arith.constant 0 : i32
      %dma_start3A_258 = tpu.memref_slice %arg12[%dma_start3A_256, %dma_start3A_257] : memref<1024x64xf32, #tpu.memory_space<vmem>> -> memref<128x64xf32, #tpu.memory_space<vmem>>
      %dma_start3A_259 = arith.constant 0 : i32
      %dma_start3A_260 = tpu.memref_slice %arg10[%dma_start3A_255, %dma_start3A_259] : memref<8x128xi32, #tpu.memory_space<vmem>> -> memref<1x128xi32, #tpu.memory_space<vmem>>
      %dma_start3A_261 = tpu.memref_squeeze %dma_start3A_260 : memref<1x128xi32, #tpu.memory_space<vmem>> -> memref<128xi32, #tpu.memory_space<vmem>>
      %dma_start3A_262 = arith.constant 0 : i32
      %dma_start3A_263 = arith.constant 0 : i32
      %dma_start3A_264 = tpu.memref_slice %arg13[%dma_start3A_262, %dma_start3A_263] : memref<10000x64xf32, #tpu.memory_space<vmem_shared>> -> memref<10000x64xf32, #tpu.memory_space<vmem_shared>>
      tpu.enqueue_indirect_dma source(%dma_start3A_258 : memref<128x64xf32, #tpu.memory_space<vmem>>) target(%dma_start3A_264 : memref<10000x64xf32, #tpu.memory_space<vmem_shared>>) offsets(%dma_start3A_261 : memref<128xi32, #tpu.memory_space<vmem>>) semaphore(%arg16 : memref<!tpu.dma_semaphore, #tpu.memory_space<semaphore_mem>>) {add = true}
      %dma_start3A_265 = arith.constant 2 : i32
      %dma_start3A_266 = arith.constant 256 : i32
      %dma_start3A_267 = arith.constant 0 : i32
      %dma_start3A_268 = tpu.memref_slice %arg12[%dma_start3A_266, %dma_start3A_267] : memref<1024x64xf32, #tpu.memory_space<vmem>> -> memref<128x64xf32, #tpu.memory_space<vmem>>
      %dma_start3A_269 = arith.constant 0 : i32
      %dma_start3A_270 = tpu.memref_slice %arg10[%dma_start3A_265, %dma_start3A_269] : memref<8x128xi32, #tpu.memory_space<vmem>> -> memref<1x128xi32, #tpu.memory_space<vmem>>
      %dma_start3A_271 = tpu.memref_squeeze %dma_start3A_270 : memref<1x128xi32, #tpu.memory_space<vmem>> -> memref<128xi32, #tpu.memory_space<vmem>>
      %dma_start3A_272 = arith.constant 0 : i32
      %dma_start3A_273 = arith.constant 0 : i32
      %dma_start3A_274 = tpu.memref_slice %arg13[%dma_start3A_272, %dma_start3A_273] : memref<10000x64xf32, #tpu.memory_space<vmem_shared>> -> memref<10000x64xf32, #tpu.memory_space<vmem_shared>>
      tpu.enqueue_indirect_dma source(%dma_start3A_268 : memref<128x64xf32, #tpu.memory_space<vmem>>) target(%dma_start3A_274 : memref<10000x64xf32, #tpu.memory_space<vmem_shared>>) offsets(%dma_start3A_271 : memref<128xi32, #tpu.memory_space<vmem>>) semaphore(%arg16 : memref<!tpu.dma_semaphore, #tpu.memory_space<semaphore_mem>>) {add = true}
      %dma_start3A_275 = arith.constant 3 : i32
      %dma_start3A_276 = arith.constant 384 : i32
      %dma_start3A_277 = arith.constant 0 : i32
      %dma_start3A_278 = tpu.memref_slice %arg12[%dma_start3A_276, %dma_start3A_277] : memref<1024x64xf32, #tpu.memory_space<vmem>> -> memref<128x64xf32, #tpu.memory_space<vmem>>
      %dma_start3A_279 = arith.constant 0 : i32
      %dma_start3A_280 = tpu.memref_slice %arg10[%dma_start3A_275, %dma_start3A_279] : memref<8x128xi32, #tpu.memory_space<vmem>> -> memref<1x128xi32, #tpu.memory_space<vmem>>
      %dma_start3A_281 = tpu.memref_squeeze %dma_start3A_280 : memref<1x128xi32, #tpu.memory_space<vmem>> -> memref<128xi32, #tpu.memory_space<vmem>>
      %dma_start3A_282 = arith.constant 0 : i32
      %dma_start3A_283 = arith.constant 0 : i32
      %dma_start3A_284 = tpu.memref_slice %arg13[%dma_start3A_282, %dma_start3A_283] : memref<10000x64xf32, #tpu.memory_space<vmem_shared>> -> memref<10000x64xf32, #tpu.memory_space<vmem_shared>>
      tpu.enqueue_indirect_dma source(%dma_start3A_278 : memref<128x64xf32, #tpu.memory_space<vmem>>) target(%dma_start3A_284 : memref<10000x64xf32, #tpu.memory_space<vmem_shared>>) offsets(%dma_start3A_281 : memref<128xi32, #tpu.memory_space<vmem>>) semaphore(%arg16 : memref<!tpu.dma_semaphore, #tpu.memory_space<semaphore_mem>>) {add = true}
      %dma_start3A_285 = arith.constant 4 : i32
      %dma_start3A_286 = arith.constant 512 : i32
      %dma_start3A_287 = arith.constant 0 : i32
      %dma_start3A_288 = tpu.memref_slice %arg12[%dma_start3A_286, %dma_start3A_287] : memref<1024x64xf32, #tpu.memory_space<vmem>> -> memref<128x64xf32, #tpu.memory_space<vmem>>
      %dma_start3A_289 = arith.constant 0 : i32
      %dma_start3A_290 = tpu.memref_slice %arg10[%dma_start3A_285, %dma_start3A_289] : memref<8x128xi32, #tpu.memory_space<vmem>> -> memref<1x128xi32, #tpu.memory_space<vmem>>
      %dma_start3A_291 = tpu.memref_squeeze %dma_start3A_290 : memref<1x128xi32, #tpu.memory_space<vmem>> -> memref<128xi32, #tpu.memory_space<vmem>>
      %dma_start3A_292 = arith.constant 0 : i32
      %dma_start3A_293 = arith.constant 0 : i32
      %dma_start3A_294 = tpu.memref_slice %arg13[%dma_start3A_292, %dma_start3A_293] : memref<10000x64xf32, #tpu.memory_space<vmem_shared>> -> memref<10000x64xf32, #tpu.memory_space<vmem_shared>>
      tpu.enqueue_indirect_dma source(%dma_start3A_288 : memref<128x64xf32, #tpu.memory_space<vmem>>) target(%dma_start3A_294 : memref<10000x64xf32, #tpu.memory_space<vmem_shared>>) offsets(%dma_start3A_291 : memref<128xi32, #tpu.memory_space<vmem>>) semaphore(%arg16 : memref<!tpu.dma_semaphore, #tpu.memory_space<semaphore_mem>>) {add = true}
      %dma_start3A_295 = arith.constant 5 : i32
      %dma_start3A_296 = arith.constant 640 : i32
      %dma_start3A_297 = arith.constant 0 : i32
      %dma_start3A_298 = tpu.memref_slice %arg12[%dma_start3A_296, %dma_start3A_297] : memref<1024x64xf32, #tpu.memory_space<vmem>> -> memref<128x64xf32, #tpu.memory_space<vmem>>
      %dma_start3A_299 = arith.constant 0 : i32
      %dma_start3A_300 = tpu.memref_slice %arg10[%dma_start3A_295, %dma_start3A_299] : memref<8x128xi32, #tpu.memory_space<vmem>> -> memref<1x128xi32, #tpu.memory_space<vmem>>
      %dma_start3A_301 = tpu.memref_squeeze %dma_start3A_300 : memref<1x128xi32, #tpu.memory_space<vmem>> -> memref<128xi32, #tpu.memory_space<vmem>>
      %dma_start3A_302 = arith.constant 0 : i32
      %dma_start3A_303 = arith.constant 0 : i32
      %dma_start3A_304 = tpu.memref_slice %arg13[%dma_start3A_302, %dma_start3A_303] : memref<10000x64xf32, #tpu.memory_space<vmem_shared>> -> memref<10000x64xf32, #tpu.memory_space<vmem_shared>>
      tpu.enqueue_indirect_dma source(%dma_start3A_298 : memref<128x64xf32, #tpu.memory_space<vmem>>) target(%dma_start3A_304 : memref<10000x64xf32, #tpu.memory_space<vmem_shared>>) offsets(%dma_start3A_301 : memref<128xi32, #tpu.memory_space<vmem>>) semaphore(%arg16 : memref<!tpu.dma_semaphore, #tpu.memory_space<semaphore_mem>>) {add = true}
      %dma_start3A_305 = arith.constant 6 : i32
      %dma_start3A_306 = arith.constant 768 : i32
      %dma_start3A_307 = arith.constant 0 : i32
      %dma_start3A_308 = tpu.memref_slice %arg12[%dma_start3A_306, %dma_start3A_307] : memref<1024x64xf32, #tpu.memory_space<vmem>> -> memref<128x64xf32, #tpu.memory_space<vmem>>
      %dma_start3A_309 = arith.constant 0 : i32
      %dma_start3A_310 = tpu.memref_slice %arg10[%dma_start3A_305, %dma_start3A_309] : memref<8x128xi32, #tpu.memory_space<vmem>> -> memref<1x128xi32, #tpu.memory_space<vmem>>
      %dma_start3A_311 = tpu.memref_squeeze %dma_start3A_310 : memref<1x128xi32, #tpu.memory_space<vmem>> -> memref<128xi32, #tpu.memory_space<vmem>>
      %dma_start3A_312 = arith.constant 0 : i32
      %dma_start3A_313 = arith.constant 0 : i32
      %dma_start3A_314 = tpu.memref_slice %arg13[%dma_start3A_312, %dma_start3A_313] : memref<10000x64xf32, #tpu.memory_space<vmem_shared>> -> memref<10000x64xf32, #tpu.memory_space<vmem_shared>>
      tpu.enqueue_indirect_dma source(%dma_start3A_308 : memref<128x64xf32, #tpu.memory_space<vmem>>) target(%dma_start3A_314 : memref<10000x64xf32, #tpu.memory_space<vmem_shared>>) offsets(%dma_start3A_311 : memref<128xi32, #tpu.memory_space<vmem>>) semaphore(%arg16 : memref<!tpu.dma_semaphore, #tpu.memory_space<semaphore_mem>>) {add = true}
      %dma_start3A_315 = arith.constant 7 : i32
      %dma_start3A_316 = arith.constant 896 : i32
      %dma_start3A_317 = arith.constant 0 : i32
      %dma_start3A_318 = tpu.memref_slice %arg12[%dma_start3A_316, %dma_start3A_317] : memref<1024x64xf32, #tpu.memory_space<vmem>> -> memref<128x64xf32, #tpu.memory_space<vmem>>
      %dma_start3A_319 = arith.constant 0 : i32
      %dma_start3A_320 = tpu.memref_slice %arg10[%dma_start3A_315, %dma_start3A_319] : memref<8x128xi32, #tpu.memory_space<vmem>> -> memref<1x128xi32, #tpu.memory_space<vmem>>
      %dma_start3A_321 = tpu.memref_squeeze %dma_start3A_320 : memref<1x128xi32, #tpu.memory_space<vmem>> -> memref<128xi32, #tpu.memory_space<vmem>>
      %dma_start3A_322 = arith.constant 0 : i32
      %dma_start3A_323 = arith.constant 0 : i32
      %dma_start3A_324 = tpu.memref_slice %arg13[%dma_start3A_322, %dma_start3A_323] : memref<10000x64xf32, #tpu.memory_space<vmem_shared>> -> memref<10000x64xf32, #tpu.memory_space<vmem_shared>>
      tpu.enqueue_indirect_dma source(%dma_start3A_318 : memref<128x64xf32, #tpu.memory_space<vmem>>) target(%dma_start3A_324 : memref<10000x64xf32, #tpu.memory_space<vmem_shared>>) offsets(%dma_start3A_321 : memref<128xi32, #tpu.memory_space<vmem>>) semaphore(%arg16 : memref<!tpu.dma_semaphore, #tpu.memory_space<semaphore_mem>>) {add = true}
      %dma_wait3A_325 = arith.constant 0 : i32
      %dma_wait3A_326 = arith.constant 0 : i32
      %dma_wait3A_327 = arith.constant 0 : i32
      %dma_wait3A_328 = tpu.memref_slice %arg12[%dma_wait3A_326, %dma_wait3A_327] : memref<1024x64xf32, #tpu.memory_space<vmem>> -> memref<128x64xf32, #tpu.memory_space<vmem>>
      %dma_wait3A_329 = arith.constant 0 : i32
      %dma_wait3A_330 = tpu.memref_slice %arg10[%dma_wait3A_325, %dma_wait3A_329] : memref<8x128xi32, #tpu.memory_space<vmem>> -> memref<1x128xi32, #tpu.memory_space<vmem>>
      %dma_wait3A_331 = tpu.memref_squeeze %dma_wait3A_330 : memref<1x128xi32, #tpu.memory_space<vmem>> -> memref<128xi32, #tpu.memory_space<vmem>>
      %dma_wait3A_332 = arith.constant 0 : i32
      %dma_wait3A_333 = arith.constant 0 : i32
      %dma_wait3A_334 = tpu.memref_slice %arg13[%dma_wait3A_332, %dma_wait3A_333] : memref<10000x64xf32, #tpu.memory_space<vmem_shared>> -> memref<10000x64xf32, #tpu.memory_space<vmem_shared>>
      tpu.wait_indirect_dma semaphore(%arg16 : memref<!tpu.dma_semaphore, #tpu.memory_space<semaphore_mem>>) src(%dma_wait3A_328 : memref<128x64xf32, #tpu.memory_space<vmem>>) dst(%dma_wait3A_334 : memref<10000x64xf32, #tpu.memory_space<vmem_shared>>)
      %dma_wait3A_335 = arith.constant 1 : i32
      %dma_wait3A_336 = arith.constant 128 : i32
      %dma_wait3A_337 = arith.constant 0 : i32
      %dma_wait3A_338 = tpu.memref_slice %arg12[%dma_wait3A_336, %dma_wait3A_337] : memref<1024x64xf32, #tpu.memory_space<vmem>> -> memref<128x64xf32, #tpu.memory_space<vmem>>
      %dma_wait3A_339 = arith.constant 0 : i32
      %dma_wait3A_340 = tpu.memref_slice %arg10[%dma_wait3A_335, %dma_wait3A_339] : memref<8x128xi32, #tpu.memory_space<vmem>> -> memref<1x128xi32, #tpu.memory_space<vmem>>
      %dma_wait3A_341 = tpu.memref_squeeze %dma_wait3A_340 : memref<1x128xi32, #tpu.memory_space<vmem>> -> memref<128xi32, #tpu.memory_space<vmem>>
      %dma_wait3A_342 = arith.constant 0 : i32
      %dma_wait3A_343 = arith.constant 0 : i32
      %dma_wait3A_344 = tpu.memref_slice %arg13[%dma_wait3A_342, %dma_wait3A_343] : memref<10000x64xf32, #tpu.memory_space<vmem_shared>> -> memref<10000x64xf32, #tpu.memory_space<vmem_shared>>
      tpu.wait_indirect_dma semaphore(%arg16 : memref<!tpu.dma_semaphore, #tpu.memory_space<semaphore_mem>>) src(%dma_wait3A_338 : memref<128x64xf32, #tpu.memory_space<vmem>>) dst(%dma_wait3A_344 : memref<10000x64xf32, #tpu.memory_space<vmem_shared>>)
      %dma_wait3A_345 = arith.constant 2 : i32
      %dma_wait3A_346 = arith.constant 256 : i32
      %dma_wait3A_347 = arith.constant 0 : i32
      %dma_wait3A_348 = tpu.memref_slice %arg12[%dma_wait3A_346, %dma_wait3A_347] : memref<1024x64xf32, #tpu.memory_space<vmem>> -> memref<128x64xf32, #tpu.memory_space<vmem>>
      %dma_wait3A_349 = arith.constant 0 : i32
      %dma_wait3A_350 = tpu.memref_slice %arg10[%dma_wait3A_345, %dma_wait3A_349] : memref<8x128xi32, #tpu.memory_space<vmem>> -> memref<1x128xi32, #tpu.memory_space<vmem>>
      %dma_wait3A_351 = tpu.memref_squeeze %dma_wait3A_350 : memref<1x128xi32, #tpu.memory_space<vmem>> -> memref<128xi32, #tpu.memory_space<vmem>>
      %dma_wait3A_352 = arith.constant 0 : i32
      %dma_wait3A_353 = arith.constant 0 : i32
      %dma_wait3A_354 = tpu.memref_slice %arg13[%dma_wait3A_352, %dma_wait3A_353] : memref<10000x64xf32, #tpu.memory_space<vmem_shared>> -> memref<10000x64xf32, #tpu.memory_space<vmem_shared>>
      tpu.wait_indirect_dma semaphore(%arg16 : memref<!tpu.dma_semaphore, #tpu.memory_space<semaphore_mem>>) src(%dma_wait3A_348 : memref<128x64xf32, #tpu.memory_space<vmem>>) dst(%dma_wait3A_354 : memref<10000x64xf32, #tpu.memory_space<vmem_shared>>)
      %dma_wait3A_355 = arith.constant 3 : i32
      %dma_wait3A_356 = arith.constant 384 : i32
      %dma_wait3A_357 = arith.constant 0 : i32
      %dma_wait3A_358 = tpu.memref_slice %arg12[%dma_wait3A_356, %dma_wait3A_357] : memref<1024x64xf32, #tpu.memory_space<vmem>> -> memref<128x64xf32, #tpu.memory_space<vmem>>
      %dma_wait3A_359 = arith.constant 0 : i32
      %dma_wait3A_360 = tpu.memref_slice %arg10[%dma_wait3A_355, %dma_wait3A_359] : memref<8x128xi32, #tpu.memory_space<vmem>> -> memref<1x128xi32, #tpu.memory_space<vmem>>
      %dma_wait3A_361 = tpu.memref_squeeze %dma_wait3A_360 : memref<1x128xi32, #tpu.memory_space<vmem>> -> memref<128xi32, #tpu.memory_space<vmem>>
      %dma_wait3A_362 = arith.constant 0 : i32
      %dma_wait3A_363 = arith.constant 0 : i32
      %dma_wait3A_364 = tpu.memref_slice %arg13[%dma_wait3A_362, %dma_wait3A_363] : memref<10000x64xf32, #tpu.memory_space<vmem_shared>> -> memref<10000x64xf32, #tpu.memory_space<vmem_shared>>
      tpu.wait_indirect_dma semaphore(%arg16 : memref<!tpu.dma_semaphore, #tpu.memory_space<semaphore_mem>>) src(%dma_wait3A_358 : memref<128x64xf32, #tpu.memory_space<vmem>>) dst(%dma_wait3A_364 : memref<10000x64xf32, #tpu.memory_space<vmem_shared>>)
      %dma_wait3A_365 = arith.constant 4 : i32
      %dma_wait3A_366 = arith.constant 512 : i32
      %dma_wait3A_367 = arith.constant 0 : i32
      %dma_wait3A_368 = tpu.memref_slice %arg12[%dma_wait3A_366, %dma_wait3A_367] : memref<1024x64xf32, #tpu.memory_space<vmem>> -> memref<128x64xf32, #tpu.memory_space<vmem>>
      %dma_wait3A_369 = arith.constant 0 : i32
      %dma_wait3A_370 = tpu.memref_slice %arg10[%dma_wait3A_365, %dma_wait3A_369] : memref<8x128xi32, #tpu.memory_space<vmem>> -> memref<1x128xi32, #tpu.memory_space<vmem>>
      %dma_wait3A_371 = tpu.memref_squeeze %dma_wait3A_370 : memref<1x128xi32, #tpu.memory_space<vmem>> -> memref<128xi32, #tpu.memory_space<vmem>>
      %dma_wait3A_372 = arith.constant 0 : i32
      %dma_wait3A_373 = arith.constant 0 : i32
      %dma_wait3A_374 = tpu.memref_slice %arg13[%dma_wait3A_372, %dma_wait3A_373] : memref<10000x64xf32, #tpu.memory_space<vmem_shared>> -> memref<10000x64xf32, #tpu.memory_space<vmem_shared>>
      tpu.wait_indirect_dma semaphore(%arg16 : memref<!tpu.dma_semaphore, #tpu.memory_space<semaphore_mem>>) src(%dma_wait3A_368 : memref<128x64xf32, #tpu.memory_space<vmem>>) dst(%dma_wait3A_374 : memref<10000x64xf32, #tpu.memory_space<vmem_shared>>)
      %dma_wait3A_375 = arith.constant 5 : i32
      %dma_wait3A_376 = arith.constant 640 : i32
      %dma_wait3A_377 = arith.constant 0 : i32
      %dma_wait3A_378 = tpu.memref_slice %arg12[%dma_wait3A_376, %dma_wait3A_377] : memref<1024x64xf32, #tpu.memory_space<vmem>> -> memref<128x64xf32, #tpu.memory_space<vmem>>
      %dma_wait3A_379 = arith.constant 0 : i32
      %dma_wait3A_380 = tpu.memref_slice %arg10[%dma_wait3A_375, %dma_wait3A_379] : memref<8x128xi32, #tpu.memory_space<vmem>> -> memref<1x128xi32, #tpu.memory_space<vmem>>
      %dma_wait3A_381 = tpu.memref_squeeze %dma_wait3A_380 : memref<1x128xi32, #tpu.memory_space<vmem>> -> memref<128xi32, #tpu.memory_space<vmem>>
      %dma_wait3A_382 = arith.constant 0 : i32
      %dma_wait3A_383 = arith.constant 0 : i32
      %dma_wait3A_384 = tpu.memref_slice %arg13[%dma_wait3A_382, %dma_wait3A_383] : memref<10000x64xf32, #tpu.memory_space<vmem_shared>> -> memref<10000x64xf32, #tpu.memory_space<vmem_shared>>
      tpu.wait_indirect_dma semaphore(%arg16 : memref<!tpu.dma_semaphore, #tpu.memory_space<semaphore_mem>>) src(%dma_wait3A_378 : memref<128x64xf32, #tpu.memory_space<vmem>>) dst(%dma_wait3A_384 : memref<10000x64xf32, #tpu.memory_space<vmem_shared>>)
      %dma_wait3A_385 = arith.constant 6 : i32
      %dma_wait3A_386 = arith.constant 768 : i32
      %dma_wait3A_387 = arith.constant 0 : i32
      %dma_wait3A_388 = tpu.memref_slice %arg12[%dma_wait3A_386, %dma_wait3A_387] : memref<1024x64xf32, #tpu.memory_space<vmem>> -> memref<128x64xf32, #tpu.memory_space<vmem>>
      %dma_wait3A_389 = arith.constant 0 : i32
      %dma_wait3A_390 = tpu.memref_slice %arg10[%dma_wait3A_385, %dma_wait3A_389] : memref<8x128xi32, #tpu.memory_space<vmem>> -> memref<1x128xi32, #tpu.memory_space<vmem>>
      %dma_wait3A_391 = tpu.memref_squeeze %dma_wait3A_390 : memref<1x128xi32, #tpu.memory_space<vmem>> -> memref<128xi32, #tpu.memory_space<vmem>>
      %dma_wait3A_392 = arith.constant 0 : i32
      %dma_wait3A_393 = arith.constant 0 : i32
      %dma_wait3A_394 = tpu.memref_slice %arg13[%dma_wait3A_392, %dma_wait3A_393] : memref<10000x64xf32, #tpu.memory_space<vmem_shared>> -> memref<10000x64xf32, #tpu.memory_space<vmem_shared>>
      tpu.wait_indirect_dma semaphore(%arg16 : memref<!tpu.dma_semaphore, #tpu.memory_space<semaphore_mem>>) src(%dma_wait3A_388 : memref<128x64xf32, #tpu.memory_space<vmem>>) dst(%dma_wait3A_394 : memref<10000x64xf32, #tpu.memory_space<vmem_shared>>)
      %dma_wait3A_395 = arith.constant 7 : i32
      %dma_wait3A_396 = arith.constant 896 : i32
      %dma_wait3A_397 = arith.constant 0 : i32
      %dma_wait3A_398 = tpu.memref_slice %arg12[%dma_wait3A_396, %dma_wait3A_397] : memref<1024x64xf32, #tpu.memory_space<vmem>> -> memref<128x64xf32, #tpu.memory_space<vmem>>
      %dma_wait3A_399 = arith.constant 0 : i32
      %dma_wait3A_400 = tpu.memref_slice %arg10[%dma_wait3A_395, %dma_wait3A_399] : memref<8x128xi32, #tpu.memory_space<vmem>> -> memref<1x128xi32, #tpu.memory_space<vmem>>
      %dma_wait3A_401 = tpu.memref_squeeze %dma_wait3A_400 : memref<1x128xi32, #tpu.memory_space<vmem>> -> memref<128xi32, #tpu.memory_space<vmem>>
      %dma_wait3A_402 = arith.constant 0 : i32
      %dma_wait3A_403 = arith.constant 0 : i32
      %dma_wait3A_404 = tpu.memref_slice %arg13[%dma_wait3A_402, %dma_wait3A_403] : memref<10000x64xf32, #tpu.memory_space<vmem_shared>> -> memref<10000x64xf32, #tpu.memory_space<vmem_shared>>
      tpu.wait_indirect_dma semaphore(%arg16 : memref<!tpu.dma_semaphore, #tpu.memory_space<semaphore_mem>>) src(%dma_wait3A_398 : memref<128x64xf32, #tpu.memory_space<vmem>>) dst(%dma_wait3A_404 : memref<10000x64xf32, #tpu.memory_space<vmem_shared>>)
    }
    %while3A_22 = arith.constant 1 : i32
    scf.for %while3A_55 = %while3A_20 to %while3A_16 step %while3A_22  : i32 {
      %mul3A_56 = arith.constant 32 : i32
      %mul3A_57 = arith.muli %while3A_55, %mul3A_56 : i32
      %add3A_58 = arith.addi %add3A, %mul3A_57 : i32
      %mul3A_59 = arith.constant 8 : i32
      %mul3A_60 = arith.muli %add3A_58, %mul3A_59 : i32
      %multiple_of3A_61 = tpu.assume_multiple %mul3A_60, 8 : i32
      %mul3A_62 = arith.constant 1024 : i32
      %mul3A_63 = arith.muli %add3A_58, %mul3A_62 : i32
      %multiple_of3A_64 = tpu.assume_multiple %mul3A_63, 1024 : i32
      %dma_start3A = arith.constant 0 : i32
      %dma_start3A_65 = tpu.memref_slice %arg2[%multiple_of3A_61, %dma_start3A] : memref<2560x128xi32, #tpu.memory_space<hbm>> -> memref<8x128xi32, #tpu.memory_space<hbm>>
      %dma_start3A_66 = arith.constant 0 : i32
      %dma_start3A_67 = tpu.memref_slice %arg2[%multiple_of3A_61, %dma_start3A_66] : memref<2560x128xi32, #tpu.memory_space<hbm>> -> memref<8x128xi32, #tpu.memory_space<hbm>>
      tpu.enqueue_dma source(%dma_start3A_67 : memref<8x128xi32, #tpu.memory_space<hbm>>) target(%arg9 : memref<8x128xi32, #tpu.memory_space<vmem>>) target_semaphore(%arg15 : memref<!tpu.dma_semaphore, #tpu.memory_space<semaphore_mem>>)
      %dma_start3A_68 = arith.constant 0 : i32
      %dma_start3A_69 = tpu.memref_slice %arg3[%multiple_of3A_61, %dma_start3A_68] : memref<2560x128xi32, #tpu.memory_space<hbm>> -> memref<8x128xi32, #tpu.memory_space<hbm>>
      %dma_start3A_70 = arith.constant 0 : i32
      %dma_start3A_71 = tpu.memref_slice %arg3[%multiple_of3A_61, %dma_start3A_70] : memref<2560x128xi32, #tpu.memory_space<hbm>> -> memref<8x128xi32, #tpu.memory_space<hbm>>
      tpu.enqueue_dma source(%dma_start3A_71 : memref<8x128xi32, #tpu.memory_space<hbm>>) target(%arg10 : memref<8x128xi32, #tpu.memory_space<vmem>>) target_semaphore(%arg15 : memref<!tpu.dma_semaphore, #tpu.memory_space<semaphore_mem>>)
      %dma_start3A_72 = tpu.memref_slice %arg4[%multiple_of3A_64] : memref<327680xf32, #tpu.memory_space<hbm>> -> memref<1024xf32, #tpu.memory_space<hbm>>
      %dma_start3A_73 = tpu.memref_slice %arg4[%multiple_of3A_64] : memref<327680xf32, #tpu.memory_space<hbm>> -> memref<1024xf32, #tpu.memory_space<hbm>>
      tpu.enqueue_dma source(%dma_start3A_73 : memref<1024xf32, #tpu.memory_space<hbm>>) target(%arg11 : memref<1024xf32, #tpu.memory_space<vmem>>) target_semaphore(%arg15 : memref<!tpu.dma_semaphore, #tpu.memory_space<semaphore_mem>>)
      %dma_wait3A = arith.constant 0 : i32
      %dma_wait3A_74 = tpu.memref_slice %arg2[%multiple_of3A_61, %dma_wait3A] : memref<2560x128xi32, #tpu.memory_space<hbm>> -> memref<8x128xi32, #tpu.memory_space<hbm>>
      %dma_wait3A_75 = arith.constant 0 : i32
      %dma_wait3A_76 = tpu.memref_slice %arg2[%multiple_of3A_61, %dma_wait3A_75] : memref<2560x128xi32, #tpu.memory_space<hbm>> -> memref<8x128xi32, #tpu.memory_space<hbm>>
      tpu.wait_dma2 semaphore(%arg15 : memref<!tpu.dma_semaphore, #tpu.memory_space<semaphore_mem>>) src(%dma_wait3A_76 : memref<8x128xi32, #tpu.memory_space<hbm>>) dst(%arg9 : memref<8x128xi32, #tpu.memory_space<vmem>>)
      %dma_wait3A_77 = arith.constant 0 : i32
      %dma_wait3A_78 = tpu.memref_slice %arg3[%multiple_of3A_61, %dma_wait3A_77] : memref<2560x128xi32, #tpu.memory_space<hbm>> -> memref<8x128xi32, #tpu.memory_space<hbm>>
      %dma_wait3A_79 = arith.constant 0 : i32
      %dma_wait3A_80 = tpu.memref_slice %arg3[%multiple_of3A_61, %dma_wait3A_79] : memref<2560x128xi32, #tpu.memory_space<hbm>> -> memref<8x128xi32, #tpu.memory_space<hbm>>
      tpu.wait_dma2 semaphore(%arg15 : memref<!tpu.dma_semaphore, #tpu.memory_space<semaphore_mem>>) src(%dma_wait3A_80 : memref<8x128xi32, #tpu.memory_space<hbm>>) dst(%arg10 : memref<8x128xi32, #tpu.memory_space<vmem>>)
      %dma_wait3A_81 = tpu.memref_slice %arg4[%multiple_of3A_64] : memref<327680xf32, #tpu.memory_space<hbm>> -> memref<1024xf32, #tpu.memory_space<hbm>>
      %dma_wait3A_82 = tpu.memref_slice %arg4[%multiple_of3A_64] : memref<327680xf32, #tpu.memory_space<hbm>> -> memref<1024xf32, #tpu.memory_space<hbm>>
      tpu.wait_dma2 semaphore(%arg15 : memref<!tpu.dma_semaphore, #tpu.memory_space<semaphore_mem>>) src(%dma_wait3A_82 : memref<1024xf32, #tpu.memory_space<hbm>>) dst(%arg11 : memref<1024xf32, #tpu.memory_space<vmem>>)
      %dma_start3A_83 = arith.constant 0 : i32
      %dma_start3A_84 = arith.constant 0 : i32
      %dma_start3A_85 = arith.constant 0 : i32
      %dma_start3A_86 = tpu.memref_slice %arg12[%dma_start3A_84, %dma_start3A_85] : memref<1024x64xf32, #tpu.memory_space<vmem>> -> memref<128x64xf32, #tpu.memory_space<vmem>>
      %dma_start3A_87 = arith.constant 0 : i32
      %dma_start3A_88 = tpu.memref_slice %arg9[%dma_start3A_83, %dma_start3A_87] : memref<8x128xi32, #tpu.memory_space<vmem>> -> memref<1x128xi32, #tpu.memory_space<vmem>>
      %dma_start3A_89 = tpu.memref_squeeze %dma_start3A_88 : memref<1x128xi32, #tpu.memory_space<vmem>> -> memref<128xi32, #tpu.memory_space<vmem>>
      %dma_start3A_90 = arith.constant 0 : i32
      %dma_start3A_91 = arith.constant 0 : i32
      %dma_start3A_92 = tpu.memref_slice %arg5[%dma_start3A_90, %dma_start3A_91] : memref<10000x64xf32, #tpu.memory_space<hbm>> -> memref<10000x64xf32, #tpu.memory_space<hbm>>
      tpu.enqueue_indirect_dma source(%dma_start3A_92 : memref<10000x64xf32, #tpu.memory_space<hbm>>) target(%dma_start3A_86 : memref<128x64xf32, #tpu.memory_space<vmem>>) offsets(%dma_start3A_89 : memref<128xi32, #tpu.memory_space<vmem>>) semaphore(%arg14 : memref<!tpu.dma_semaphore, #tpu.memory_space<semaphore_mem>>)
      %dma_start3A_93 = arith.constant 1 : i32
      %dma_start3A_94 = arith.constant 128 : i32
      %dma_start3A_95 = arith.constant 0 : i32
      %dma_start3A_96 = tpu.memref_slice %arg12[%dma_start3A_94, %dma_start3A_95] : memref<1024x64xf32, #tpu.memory_space<vmem>> -> memref<128x64xf32, #tpu.memory_space<vmem>>
      %dma_start3A_97 = arith.constant 0 : i32
      %dma_start3A_98 = tpu.memref_slice %arg9[%dma_start3A_93, %dma_start3A_97] : memref<8x128xi32, #tpu.memory_space<vmem>> -> memref<1x128xi32, #tpu.memory_space<vmem>>
      %dma_start3A_99 = tpu.memref_squeeze %dma_start3A_98 : memref<1x128xi32, #tpu.memory_space<vmem>> -> memref<128xi32, #tpu.memory_space<vmem>>
      %dma_start3A_100 = arith.constant 0 : i32
      %dma_start3A_101 = arith.constant 0 : i32
      %dma_start3A_102 = tpu.memref_slice %arg5[%dma_start3A_100, %dma_start3A_101] : memref<10000x64xf32, #tpu.memory_space<hbm>> -> memref<10000x64xf32, #tpu.memory_space<hbm>>
      tpu.enqueue_indirect_dma source(%dma_start3A_102 : memref<10000x64xf32, #tpu.memory_space<hbm>>) target(%dma_start3A_96 : memref<128x64xf32, #tpu.memory_space<vmem>>) offsets(%dma_start3A_99 : memref<128xi32, #tpu.memory_space<vmem>>) semaphore(%arg14 : memref<!tpu.dma_semaphore, #tpu.memory_space<semaphore_mem>>)
      %dma_start3A_103 = arith.constant 2 : i32
      %dma_start3A_104 = arith.constant 256 : i32
      %dma_start3A_105 = arith.constant 0 : i32
      %dma_start3A_106 = tpu.memref_slice %arg12[%dma_start3A_104, %dma_start3A_105] : memref<1024x64xf32, #tpu.memory_space<vmem>> -> memref<128x64xf32, #tpu.memory_space<vmem>>
      %dma_start3A_107 = arith.constant 0 : i32
      %dma_start3A_108 = tpu.memref_slice %arg9[%dma_start3A_103, %dma_start3A_107] : memref<8x128xi32, #tpu.memory_space<vmem>> -> memref<1x128xi32, #tpu.memory_space<vmem>>
      %dma_start3A_109 = tpu.memref_squeeze %dma_start3A_108 : memref<1x128xi32, #tpu.memory_space<vmem>> -> memref<128xi32, #tpu.memory_space<vmem>>
      %dma_start3A_110 = arith.constant 0 : i32
      %dma_start3A_111 = arith.constant 0 : i32
      %dma_start3A_112 = tpu.memref_slice %arg5[%dma_start3A_110, %dma_start3A_111] : memref<10000x64xf32, #tpu.memory_space<hbm>> -> memref<10000x64xf32, #tpu.memory_space<hbm>>
      tpu.enqueue_indirect_dma source(%dma_start3A_112 : memref<10000x64xf32, #tpu.memory_space<hbm>>) target(%dma_start3A_106 : memref<128x64xf32, #tpu.memory_space<vmem>>) offsets(%dma_start3A_109 : memref<128xi32, #tpu.memory_space<vmem>>) semaphore(%arg14 : memref<!tpu.dma_semaphore, #tpu.memory_space<semaphore_mem>>)
      %dma_start3A_113 = arith.constant 3 : i32
      %dma_start3A_114 = arith.constant 384 : i32
      %dma_start3A_115 = arith.constant 0 : i32
      %dma_start3A_116 = tpu.memref_slice %arg12[%dma_start3A_114, %dma_start3A_115] : memref<1024x64xf32, #tpu.memory_space<vmem>> -> memref<128x64xf32, #tpu.memory_space<vmem>>
      %dma_start3A_117 = arith.constant 0 : i32
      %dma_start3A_118 = tpu.memref_slice %arg9[%dma_start3A_113, %dma_start3A_117] : memref<8x128xi32, #tpu.memory_space<vmem>> -> memref<1x128xi32, #tpu.memory_space<vmem>>
      %dma_start3A_119 = tpu.memref_squeeze %dma_start3A_118 : memref<1x128xi32, #tpu.memory_space<vmem>> -> memref<128xi32, #tpu.memory_space<vmem>>
      %dma_start3A_120 = arith.constant 0 : i32
      %dma_start3A_121 = arith.constant 0 : i32
      %dma_start3A_122 = tpu.memref_slice %arg5[%dma_start3A_120, %dma_start3A_121] : memref<10000x64xf32, #tpu.memory_space<hbm>> -> memref<10000x64xf32, #tpu.memory_space<hbm>>
      tpu.enqueue_indirect_dma source(%dma_start3A_122 : memref<10000x64xf32, #tpu.memory_space<hbm>>) target(%dma_start3A_116 : memref<128x64xf32, #tpu.memory_space<vmem>>) offsets(%dma_start3A_119 : memref<128xi32, #tpu.memory_space<vmem>>) semaphore(%arg14 : memref<!tpu.dma_semaphore, #tpu.memory_space<semaphore_mem>>)
      %dma_start3A_123 = arith.constant 4 : i32
      %dma_start3A_124 = arith.constant 512 : i32
      %dma_start3A_125 = arith.constant 0 : i32
      %dma_start3A_126 = tpu.memref_slice %arg12[%dma_start3A_124, %dma_start3A_125] : memref<1024x64xf32, #tpu.memory_space<vmem>> -> memref<128x64xf32, #tpu.memory_space<vmem>>
      %dma_start3A_127 = arith.constant 0 : i32
      %dma_start3A_128 = tpu.memref_slice %arg9[%dma_start3A_123, %dma_start3A_127] : memref<8x128xi32, #tpu.memory_space<vmem>> -> memref<1x128xi32, #tpu.memory_space<vmem>>
      %dma_start3A_129 = tpu.memref_squeeze %dma_start3A_128 : memref<1x128xi32, #tpu.memory_space<vmem>> -> memref<128xi32, #tpu.memory_space<vmem>>
      %dma_start3A_130 = arith.constant 0 : i32
      %dma_start3A_131 = arith.constant 0 : i32
      %dma_start3A_132 = tpu.memref_slice %arg5[%dma_start3A_130, %dma_start3A_131] : memref<10000x64xf32, #tpu.memory_space<hbm>> -> memref<10000x64xf32, #tpu.memory_space<hbm>>
      tpu.enqueue_indirect_dma source(%dma_start3A_132 : memref<10000x64xf32, #tpu.memory_space<hbm>>) target(%dma_start3A_126 : memref<128x64xf32, #tpu.memory_space<vmem>>) offsets(%dma_start3A_129 : memref<128xi32, #tpu.memory_space<vmem>>) semaphore(%arg14 : memref<!tpu.dma_semaphore, #tpu.memory_space<semaphore_mem>>)
      %dma_start3A_133 = arith.constant 5 : i32
      %dma_start3A_134 = arith.constant 640 : i32
      %dma_start3A_135 = arith.constant 0 : i32
      %dma_start3A_136 = tpu.memref_slice %arg12[%dma_start3A_134, %dma_start3A_135] : memref<1024x64xf32, #tpu.memory_space<vmem>> -> memref<128x64xf32, #tpu.memory_space<vmem>>
      %dma_start3A_137 = arith.constant 0 : i32
      %dma_start3A_138 = tpu.memref_slice %arg9[%dma_start3A_133, %dma_start3A_137] : memref<8x128xi32, #tpu.memory_space<vmem>> -> memref<1x128xi32, #tpu.memory_space<vmem>>
      %dma_start3A_139 = tpu.memref_squeeze %dma_start3A_138 : memref<1x128xi32, #tpu.memory_space<vmem>> -> memref<128xi32, #tpu.memory_space<vmem>>
      %dma_start3A_140 = arith.constant 0 : i32
      %dma_start3A_141 = arith.constant 0 : i32
      %dma_start3A_142 = tpu.memref_slice %arg5[%dma_start3A_140, %dma_start3A_141] : memref<10000x64xf32, #tpu.memory_space<hbm>> -> memref<10000x64xf32, #tpu.memory_space<hbm>>
      tpu.enqueue_indirect_dma source(%dma_start3A_142 : memref<10000x64xf32, #tpu.memory_space<hbm>>) target(%dma_start3A_136 : memref<128x64xf32, #tpu.memory_space<vmem>>) offsets(%dma_start3A_139 : memref<128xi32, #tpu.memory_space<vmem>>) semaphore(%arg14 : memref<!tpu.dma_semaphore, #tpu.memory_space<semaphore_mem>>)
      %dma_start3A_143 = arith.constant 6 : i32
      %dma_start3A_144 = arith.constant 768 : i32
      %dma_start3A_145 = arith.constant 0 : i32
      %dma_start3A_146 = tpu.memref_slice %arg12[%dma_start3A_144, %dma_start3A_145] : memref<1024x64xf32, #tpu.memory_space<vmem>> -> memref<128x64xf32, #tpu.memory_space<vmem>>
      %dma_start3A_147 = arith.constant 0 : i32
      %dma_start3A_148 = tpu.memref_slice %arg9[%dma_start3A_143, %dma_start3A_147] : memref<8x128xi32, #tpu.memory_space<vmem>> -> memref<1x128xi32, #tpu.memory_space<vmem>>
      %dma_start3A_149 = tpu.memref_squeeze %dma_start3A_148 : memref<1x128xi32, #tpu.memory_space<vmem>> -> memref<128xi32, #tpu.memory_space<vmem>>
      %dma_start3A_150 = arith.constant 0 : i32
      %dma_start3A_151 = arith.constant 0 : i32
      %dma_start3A_152 = tpu.memref_slice %arg5[%dma_start3A_150, %dma_start3A_151] : memref<10000x64xf32, #tpu.memory_space<hbm>> -> memref<10000x64xf32, #tpu.memory_space<hbm>>
      tpu.enqueue_indirect_dma source(%dma_start3A_152 : memref<10000x64xf32, #tpu.memory_space<hbm>>) target(%dma_start3A_146 : memref<128x64xf32, #tpu.memory_space<vmem>>) offsets(%dma_start3A_149 : memref<128xi32, #tpu.memory_space<vmem>>) semaphore(%arg14 : memref<!tpu.dma_semaphore, #tpu.memory_space<semaphore_mem>>)
      %dma_start3A_153 = arith.constant 7 : i32
      %dma_start3A_154 = arith.constant 896 : i32
      %dma_start3A_155 = arith.constant 0 : i32
      %dma_start3A_156 = tpu.memref_slice %arg12[%dma_start3A_154, %dma_start3A_155] : memref<1024x64xf32, #tpu.memory_space<vmem>> -> memref<128x64xf32, #tpu.memory_space<vmem>>
      %dma_start3A_157 = arith.constant 0 : i32
      %dma_start3A_158 = tpu.memref_slice %arg9[%dma_start3A_153, %dma_start3A_157] : memref<8x128xi32, #tpu.memory_space<vmem>> -> memref<1x128xi32, #tpu.memory_space<vmem>>
      %dma_start3A_159 = tpu.memref_squeeze %dma_start3A_158 : memref<1x128xi32, #tpu.memory_space<vmem>> -> memref<128xi32, #tpu.memory_space<vmem>>
      %dma_start3A_160 = arith.constant 0 : i32
      %dma_start3A_161 = arith.constant 0 : i32
      %dma_start3A_162 = tpu.memref_slice %arg5[%dma_start3A_160, %dma_start3A_161] : memref<10000x64xf32, #tpu.memory_space<hbm>> -> memref<10000x64xf32, #tpu.memory_space<hbm>>
      tpu.enqueue_indirect_dma source(%dma_start3A_162 : memref<10000x64xf32, #tpu.memory_space<hbm>>) target(%dma_start3A_156 : memref<128x64xf32, #tpu.memory_space<vmem>>) offsets(%dma_start3A_159 : memref<128xi32, #tpu.memory_space<vmem>>) semaphore(%arg14 : memref<!tpu.dma_semaphore, #tpu.memory_space<semaphore_mem>>)
      %dma_wait3A_163 = arith.constant 0 : i32
      %dma_wait3A_164 = arith.constant 0 : i32
      %dma_wait3A_165 = arith.constant 0 : i32
      %dma_wait3A_166 = tpu.memref_slice %arg12[%dma_wait3A_164, %dma_wait3A_165] : memref<1024x64xf32, #tpu.memory_space<vmem>> -> memref<128x64xf32, #tpu.memory_space<vmem>>
      %dma_wait3A_167 = arith.constant 0 : i32
      %dma_wait3A_168 = tpu.memref_slice %arg9[%dma_wait3A_163, %dma_wait3A_167] : memref<8x128xi32, #tpu.memory_space<vmem>> -> memref<1x128xi32, #tpu.memory_space<vmem>>
      %dma_wait3A_169 = tpu.memref_squeeze %dma_wait3A_168 : memref<1x128xi32, #tpu.memory_space<vmem>> -> memref<128xi32, #tpu.memory_space<vmem>>
      %dma_wait3A_170 = arith.constant 0 : i32
      %dma_wait3A_171 = arith.constant 0 : i32
      %dma_wait3A_172 = tpu.memref_slice %arg5[%dma_wait3A_170, %dma_wait3A_171] : memref<10000x64xf32, #tpu.memory_space<hbm>> -> memref<10000x64xf32, #tpu.memory_space<hbm>>
      tpu.wait_indirect_dma semaphore(%arg14 : memref<!tpu.dma_semaphore, #tpu.memory_space<semaphore_mem>>) src(%dma_wait3A_172 : memref<10000x64xf32, #tpu.memory_space<hbm>>) dst(%dma_wait3A_166 : memref<128x64xf32, #tpu.memory_space<vmem>>)
      %dma_wait3A_173 = arith.constant 1 : i32
      %dma_wait3A_174 = arith.constant 128 : i32
      %dma_wait3A_175 = arith.constant 0 : i32
      %dma_wait3A_176 = tpu.memref_slice %arg12[%dma_wait3A_174, %dma_wait3A_175] : memref<1024x64xf32, #tpu.memory_space<vmem>> -> memref<128x64xf32, #tpu.memory_space<vmem>>
      %dma_wait3A_177 = arith.constant 0 : i32
      %dma_wait3A_178 = tpu.memref_slice %arg9[%dma_wait3A_173, %dma_wait3A_177] : memref<8x128xi32, #tpu.memory_space<vmem>> -> memref<1x128xi32, #tpu.memory_space<vmem>>
      %dma_wait3A_179 = tpu.memref_squeeze %dma_wait3A_178 : memref<1x128xi32, #tpu.memory_space<vmem>> -> memref<128xi32, #tpu.memory_space<vmem>>
      %dma_wait3A_180 = arith.constant 0 : i32
      %dma_wait3A_181 = arith.constant 0 : i32
      %dma_wait3A_182 = tpu.memref_slice %arg5[%dma_wait3A_180, %dma_wait3A_181] : memref<10000x64xf32, #tpu.memory_space<hbm>> -> memref<10000x64xf32, #tpu.memory_space<hbm>>
      tpu.wait_indirect_dma semaphore(%arg14 : memref<!tpu.dma_semaphore, #tpu.memory_space<semaphore_mem>>) src(%dma_wait3A_182 : memref<10000x64xf32, #tpu.memory_space<hbm>>) dst(%dma_wait3A_176 : memref<128x64xf32, #tpu.memory_space<vmem>>)
      %dma_wait3A_183 = arith.constant 2 : i32
      %dma_wait3A_184 = arith.constant 256 : i32
      %dma_wait3A_185 = arith.constant 0 : i32
      %dma_wait3A_186 = tpu.memref_slice %arg12[%dma_wait3A_184, %dma_wait3A_185] : memref<1024x64xf32, #tpu.memory_space<vmem>> -> memref<128x64xf32, #tpu.memory_space<vmem>>
      %dma_wait3A_187 = arith.constant 0 : i32
      %dma_wait3A_188 = tpu.memref_slice %arg9[%dma_wait3A_183, %dma_wait3A_187] : memref<8x128xi32, #tpu.memory_space<vmem>> -> memref<1x128xi32, #tpu.memory_space<vmem>>
      %dma_wait3A_189 = tpu.memref_squeeze %dma_wait3A_188 : memref<1x128xi32, #tpu.memory_space<vmem>> -> memref<128xi32, #tpu.memory_space<vmem>>
      %dma_wait3A_190 = arith.constant 0 : i32
      %dma_wait3A_191 = arith.constant 0 : i32
      %dma_wait3A_192 = tpu.memref_slice %arg5[%dma_wait3A_190, %dma_wait3A_191] : memref<10000x64xf32, #tpu.memory_space<hbm>> -> memref<10000x64xf32, #tpu.memory_space<hbm>>
      tpu.wait_indirect_dma semaphore(%arg14 : memref<!tpu.dma_semaphore, #tpu.memory_space<semaphore_mem>>) src(%dma_wait3A_192 : memref<10000x64xf32, #tpu.memory_space<hbm>>) dst(%dma_wait3A_186 : memref<128x64xf32, #tpu.memory_space<vmem>>)
      %dma_wait3A_193 = arith.constant 3 : i32
      %dma_wait3A_194 = arith.constant 384 : i32
      %dma_wait3A_195 = arith.constant 0 : i32
      %dma_wait3A_196 = tpu.memref_slice %arg12[%dma_wait3A_194, %dma_wait3A_195] : memref<1024x64xf32, #tpu.memory_space<vmem>> -> memref<128x64xf32, #tpu.memory_space<vmem>>
      %dma_wait3A_197 = arith.constant 0 : i32
      %dma_wait3A_198 = tpu.memref_slice %arg9[%dma_wait3A_193, %dma_wait3A_197] : memref<8x128xi32, #tpu.memory_space<vmem>> -> memref<1x128xi32, #tpu.memory_space<vmem>>
      %dma_wait3A_199 = tpu.memref_squeeze %dma_wait3A_198 : memref<1x128xi32, #tpu.memory_space<vmem>> -> memref<128xi32, #tpu.memory_space<vmem>>
      %dma_wait3A_200 = arith.constant 0 : i32
      %dma_wait3A_201 = arith.constant 0 : i32
      %dma_wait3A_202 = tpu.memref_slice %arg5[%dma_wait3A_200, %dma_wait3A_201] : memref<10000x64xf32, #tpu.memory_space<hbm>> -> memref<10000x64xf32, #tpu.memory_space<hbm>>
      tpu.wait_indirect_dma semaphore(%arg14 : memref<!tpu.dma_semaphore, #tpu.memory_space<semaphore_mem>>) src(%dma_wait3A_202 : memref<10000x64xf32, #tpu.memory_space<hbm>>) dst(%dma_wait3A_196 : memref<128x64xf32, #tpu.memory_space<vmem>>)
      %dma_wait3A_203 = arith.constant 4 : i32
      %dma_wait3A_204 = arith.constant 512 : i32
      %dma_wait3A_205 = arith.constant 0 : i32
      %dma_wait3A_206 = tpu.memref_slice %arg12[%dma_wait3A_204, %dma_wait3A_205] : memref<1024x64xf32, #tpu.memory_space<vmem>> -> memref<128x64xf32, #tpu.memory_space<vmem>>
      %dma_wait3A_207 = arith.constant 0 : i32
      %dma_wait3A_208 = tpu.memref_slice %arg9[%dma_wait3A_203, %dma_wait3A_207] : memref<8x128xi32, #tpu.memory_space<vmem>> -> memref<1x128xi32, #tpu.memory_space<vmem>>
      %dma_wait3A_209 = tpu.memref_squeeze %dma_wait3A_208 : memref<1x128xi32, #tpu.memory_space<vmem>> -> memref<128xi32, #tpu.memory_space<vmem>>
      %dma_wait3A_210 = arith.constant 0 : i32
      %dma_wait3A_211 = arith.constant 0 : i32
      %dma_wait3A_212 = tpu.memref_slice %arg5[%dma_wait3A_210, %dma_wait3A_211] : memref<10000x64xf32, #tpu.memory_space<hbm>> -> memref<10000x64xf32, #tpu.memory_space<hbm>>
      tpu.wait_indirect_dma semaphore(%arg14 : memref<!tpu.dma_semaphore, #tpu.memory_space<semaphore_mem>>) src(%dma_wait3A_212 : memref<10000x64xf32, #tpu.memory_space<hbm>>) dst(%dma_wait3A_206 : memref<128x64xf32, #tpu.memory_space<vmem>>)
      %dma_wait3A_213 = arith.constant 5 : i32
      %dma_wait3A_214 = arith.constant 640 : i32
      %dma_wait3A_215 = arith.constant 0 : i32
      %dma_wait3A_216 = tpu.memref_slice %arg12[%dma_wait3A_214, %dma_wait3A_215] : memref<1024x64xf32, #tpu.memory_space<vmem>> -> memref<128x64xf32, #tpu.memory_space<vmem>>
      %dma_wait3A_217 = arith.constant 0 : i32
      %dma_wait3A_218 = tpu.memref_slice %arg9[%dma_wait3A_213, %dma_wait3A_217] : memref<8x128xi32, #tpu.memory_space<vmem>> -> memref<1x128xi32, #tpu.memory_space<vmem>>
      %dma_wait3A_219 = tpu.memref_squeeze %dma_wait3A_218 : memref<1x128xi32, #tpu.memory_space<vmem>> -> memref<128xi32, #tpu.memory_space<vmem>>
      %dma_wait3A_220 = arith.constant 0 : i32
      %dma_wait3A_221 = arith.constant 0 : i32
      %dma_wait3A_222 = tpu.memref_slice %arg5[%dma_wait3A_220, %dma_wait3A_221] : memref<10000x64xf32, #tpu.memory_space<hbm>> -> memref<10000x64xf32, #tpu.memory_space<hbm>>
      tpu.wait_indirect_dma semaphore(%arg14 : memref<!tpu.dma_semaphore, #tpu.memory_space<semaphore_mem>>) src(%dma_wait3A_222 : memref<10000x64xf32, #tpu.memory_space<hbm>>) dst(%dma_wait3A_216 : memref<128x64xf32, #tpu.memory_space<vmem>>)
      %dma_wait3A_223 = arith.constant 6 : i32
      %dma_wait3A_224 = arith.constant 768 : i32
      %dma_wait3A_225 = arith.constant 0 : i32
      %dma_wait3A_226 = tpu.memref_slice %arg12[%dma_wait3A_224, %dma_wait3A_225] : memref<1024x64xf32, #tpu.memory_space<vmem>> -> memref<128x64xf32, #tpu.memory_space<vmem>>
      %dma_wait3A_227 = arith.constant 0 : i32
      %dma_wait3A_228 = tpu.memref_slice %arg9[%dma_wait3A_223, %dma_wait3A_227] : memref<8x128xi32, #tpu.memory_space<vmem>> -> memref<1x128xi32, #tpu.memory_space<vmem>>
      %dma_wait3A_229 = tpu.memref_squeeze %dma_wait3A_228 : memref<1x128xi32, #tpu.memory_space<vmem>> -> memref<128xi32, #tpu.memory_space<vmem>>
      %dma_wait3A_230 = arith.constant 0 : i32
      %dma_wait3A_231 = arith.constant 0 : i32
      %dma_wait3A_232 = tpu.memref_slice %arg5[%dma_wait3A_230, %dma_wait3A_231] : memref<10000x64xf32, #tpu.memory_space<hbm>> -> memref<10000x64xf32, #tpu.memory_space<hbm>>
      tpu.wait_indirect_dma semaphore(%arg14 : memref<!tpu.dma_semaphore, #tpu.memory_space<semaphore_mem>>) src(%dma_wait3A_232 : memref<10000x64xf32, #tpu.memory_space<hbm>>) dst(%dma_wait3A_226 : memref<128x64xf32, #tpu.memory_space<vmem>>)
      %dma_wait3A_233 = arith.constant 7 : i32
      %dma_wait3A_234 = arith.constant 896 : i32
      %dma_wait3A_235 = arith.constant 0 : i32
      %dma_wait3A_236 = tpu.memref_slice %arg12[%dma_wait3A_234, %dma_wait3A_235] : memref<1024x64xf32, #tpu.memory_space<vmem>> -> memref<128x64xf32, #tpu.memory_space<vmem>>
      %dma_wait3A_237 = arith.constant 0 : i32
      %dma_wait3A_238 = tpu.memref_slice %arg9[%dma_wait3A_233, %dma_wait3A_237] : memref<8x128xi32, #tpu.memory_space<vmem>> -> memref<1x128xi32, #tpu.memory_space<vmem>>
      %dma_wait3A_239 = tpu.memref_squeeze %dma_wait3A_238 : memref<1x128xi32, #tpu.memory_space<vmem>> -> memref<128xi32, #tpu.memory_space<vmem>>
      %dma_wait3A_240 = arith.constant 0 : i32
      %dma_wait3A_241 = arith.constant 0 : i32
      %dma_wait3A_242 = tpu.memref_slice %arg5[%dma_wait3A_240, %dma_wait3A_241] : memref<10000x64xf32, #tpu.memory_space<hbm>> -> memref<10000x64xf32, #tpu.memory_space<hbm>>
      tpu.wait_indirect_dma semaphore(%arg14 : memref<!tpu.dma_semaphore, #tpu.memory_space<semaphore_mem>>) src(%dma_wait3A_242 : memref<10000x64xf32, #tpu.memory_space<hbm>>) dst(%dma_wait3A_236 : memref<128x64xf32, #tpu.memory_space<vmem>>)
      %parallel_loop3A = arith.constant 0 : i32
      %parallel_loop3A_243 = arith.constant 1024 : i32
      %parallel_loop3A_244 = arith.constant 1 : i32
      scf.for %parallel_loop3A_405 = %parallel_loop3A to %parallel_loop3A_243 step %parallel_loop3A_244  : i32 {
        %parallel_loop3A_406 = vector.broadcast %parallel_loop3A_405 : i32 to vector<16xi32>
        %parallel_loop3A_407 = tpu.vector_load_idx %arg11[%parallel_loop3A_406] : memref<1024xf32, #tpu.memory_space<vmem>>[vector<16xi32>], vector<16xf32>,
        %parallel_loop3A_408 = arith.index_cast %parallel_loop3A_405 : i32 to index
        %parallel_loop3A_409 = arith.constant 0 : index
        %parallel_loop3A_410 = tpu.vector_load %arg12[%parallel_loop3A_408, %parallel_loop3A_409] {strides = array<i32>} : memref<1024x64xf32, #tpu.memory_space<vmem>>, vector<16xf32>,
        %parallel_loop3A_411 = arith.mulf %parallel_loop3A_410, %parallel_loop3A_407 : vector<16xf32>
        %parallel_loop3A_412 = arith.index_cast %parallel_loop3A_405 : i32 to index
        %parallel_loop3A_413 = arith.constant 0 : index
        %parallel_loop3A_414 = tpu.vector_load %arg12[%parallel_loop3A_412, %parallel_loop3A_413] {strides = array<i32>} : memref<1024x64xf32, #tpu.memory_space<vmem>>, vector<16xf32>,
        tpu.vector_store %arg12[%parallel_loop3A_412, %parallel_loop3A_413], %parallel_loop3A_411 {strides = array<i32>} : memref<1024x64xf32, #tpu.memory_space<vmem>>, vector<16xf32>,
        %parallel_loop3A_415 = arith.index_cast %parallel_loop3A_405 : i32 to index
        %parallel_loop3A_416 = arith.constant 16 : index
        %parallel_loop3A_417 = tpu.vector_load %arg12[%parallel_loop3A_415, %parallel_loop3A_416] {strides = array<i32>} : memref<1024x64xf32, #tpu.memory_space<vmem>>, vector<16xf32>,
        %parallel_loop3A_418 = arith.mulf %parallel_loop3A_417, %parallel_loop3A_407 : vector<16xf32>
        %parallel_loop3A_419 = arith.index_cast %parallel_loop3A_405 : i32 to index
        %parallel_loop3A_420 = arith.constant 16 : index
        %parallel_loop3A_421 = tpu.vector_load %arg12[%parallel_loop3A_419, %parallel_loop3A_420] {strides = array<i32>} : memref<1024x64xf32, #tpu.memory_space<vmem>>, vector<16xf32>,
        tpu.vector_store %arg12[%parallel_loop3A_419, %parallel_loop3A_420], %parallel_loop3A_418 {strides = array<i32>} : memref<1024x64xf32, #tpu.memory_space<vmem>>, vector<16xf32>,
        %parallel_loop3A_422 = arith.index_cast %parallel_loop3A_405 : i32 to index
        %parallel_loop3A_423 = arith.constant 32 : index
        %parallel_loop3A_424 = tpu.vector_load %arg12[%parallel_loop3A_422, %parallel_loop3A_423] {strides = array<i32>} : memref<1024x64xf32, #tpu.memory_space<vmem>>, vector<16xf32>,
        %parallel_loop3A_425 = arith.mulf %parallel_loop3A_424, %parallel_loop3A_407 : vector<16xf32>
        %parallel_loop3A_426 = arith.index_cast %parallel_loop3A_405 : i32 to index
        %parallel_loop3A_427 = arith.constant 32 : index
        %parallel_loop3A_428 = tpu.vector_load %arg12[%parallel_loop3A_426, %parallel_loop3A_427] {strides = array<i32>} : memref<1024x64xf32, #tpu.memory_space<vmem>>, vector<16xf32>,
        tpu.vector_store %arg12[%parallel_loop3A_426, %parallel_loop3A_427], %parallel_loop3A_425 {strides = array<i32>} : memref<1024x64xf32, #tpu.memory_space<vmem>>, vector<16xf32>,
        %parallel_loop3A_429 = arith.index_cast %parallel_loop3A_405 : i32 to index
        %parallel_loop3A_430 = arith.constant 48 : index
        %parallel_loop3A_431 = tpu.vector_load %arg12[%parallel_loop3A_429, %parallel_loop3A_430] {strides = array<i32>} : memref<1024x64xf32, #tpu.memory_space<vmem>>, vector<16xf32>,
        %parallel_loop3A_432 = arith.mulf %parallel_loop3A_431, %parallel_loop3A_407 : vector<16xf32>
        %parallel_loop3A_433 = arith.index_cast %parallel_loop3A_405 : i32 to index
        %parallel_loop3A_434 = arith.constant 48 : index
        %parallel_loop3A_435 = tpu.vector_load %arg12[%parallel_loop3A_433, %parallel_loop3A_434] {strides = array<i32>} : memref<1024x64xf32, #tpu.memory_space<vmem>>, vector<16xf32>,
        tpu.vector_store %arg12[%parallel_loop3A_433, %parallel_loop3A_434], %parallel_loop3A_432 {strides = array<i32>} : memref<1024x64xf32, #tpu.memory_space<vmem>>, vector<16xf32>,
      } {sc.loop_unroll_factor = 8 : i64, sc.parallel_access}
      %dma_start3A_245 = arith.constant 0 : i32
      %dma_start3A_246 = arith.constant 0 : i32
      %dma_start3A_247 = arith.constant 0 : i32
      %dma_start3A_248 = tpu.memref_slice %arg12[%dma_start3A_246, %dma_start3A_247] : memref<1024x64xf32, #tpu.memory_space<vmem>> -> memref<128x64xf32, #tpu.memory_space<vmem>>
      %dma_start3A_249 = arith.constant 0 : i32
      %dma_start3A_250 = tpu.memref_slice %arg10[%dma_start3A_245, %dma_start3A_249] : memref<8x128xi32, #tpu.memory_space<vmem>> -> memref<1x128xi32, #tpu.memory_space<vmem>>
      %dma_start3A_251 = tpu.memref_squeeze %dma_start3A_250 : memref<1x128xi32, #tpu.memory_space<vmem>> -> memref<128xi32, #tpu.memory_space<vmem>>
      %dma_start3A_252 = arith.constant 0 : i32
      %dma_start3A_253 = arith.constant 0 : i32
      %dma_start3A_254 = tpu.memref_slice %arg13[%dma_start3A_252, %dma_start3A_253] : memref<10000x64xf32, #tpu.memory_space<vmem_shared>> -> memref<10000x64xf32, #tpu.memory_space<vmem_shared>>
      tpu.enqueue_indirect_dma source(%dma_start3A_248 : memref<128x64xf32, #tpu.memory_space<vmem>>) target(%dma_start3A_254 : memref<10000x64xf32, #tpu.memory_space<vmem_shared>>) offsets(%dma_start3A_251 : memref<128xi32, #tpu.memory_space<vmem>>) semaphore(%arg16 : memref<!tpu.dma_semaphore, #tpu.memory_space<semaphore_mem>>) {add = true}
      %dma_start3A_255 = arith.constant 1 : i32
      %dma_start3A_256 = arith.constant 128 : i32
      %dma_start3A_257 = arith.constant 0 : i32
      %dma_start3A_258 = tpu.memref_slice %arg12[%dma_start3A_256, %dma_start3A_257] : memref<1024x64xf32, #tpu.memory_space<vmem>> -> memref<128x64xf32, #tpu.memory_space<vmem>>
      %dma_start3A_259 = arith.constant 0 : i32
      %dma_start3A_260 = tpu.memref_slice %arg10[%dma_start3A_255, %dma_start3A_259] : memref<8x128xi32, #tpu.memory_space<vmem>> -> memref<1x128xi32, #tpu.memory_space<vmem>>
      %dma_start3A_261 = tpu.memref_squeeze %dma_start3A_260 : memref<1x128xi32, #tpu.memory_space<vmem>> -> memref<128xi32, #tpu.memory_space<vmem>>
      %dma_start3A_262 = arith.constant 0 : i32
      %dma_start3A_263 = arith.constant 0 : i32
      %dma_start3A_264 = tpu.memref_slice %arg13[%dma_start3A_262, %dma_start3A_263] : memref<10000x64xf32, #tpu.memory_space<vmem_shared>> -> memref<10000x64xf32, #tpu.memory_space<vmem_shared>>
      tpu.enqueue_indirect_dma source(%dma_start3A_258 : memref<128x64xf32, #tpu.memory_space<vmem>>) target(%dma_start3A_264 : memref<10000x64xf32, #tpu.memory_space<vmem_shared>>) offsets(%dma_start3A_261 : memref<128xi32, #tpu.memory_space<vmem>>) semaphore(%arg16 : memref<!tpu.dma_semaphore, #tpu.memory_space<semaphore_mem>>) {add = true}
      %dma_start3A_265 = arith.constant 2 : i32
      %dma_start3A_266 = arith.constant 256 : i32
      %dma_start3A_267 = arith.constant 0 : i32
      %dma_start3A_268 = tpu.memref_slice %arg12[%dma_start3A_266, %dma_start3A_267] : memref<1024x64xf32, #tpu.memory_space<vmem>> -> memref<128x64xf32, #tpu.memory_space<vmem>>
      %dma_start3A_269 = arith.constant 0 : i32
      %dma_start3A_270 = tpu.memref_slice %arg10[%dma_start3A_265, %dma_start3A_269] : memref<8x128xi32, #tpu.memory_space<vmem>> -> memref<1x128xi32, #tpu.memory_space<vmem>>
      %dma_start3A_271 = tpu.memref_squeeze %dma_start3A_270 : memref<1x128xi32, #tpu.memory_space<vmem>> -> memref<128xi32, #tpu.memory_space<vmem>>
      %dma_start3A_272 = arith.constant 0 : i32
      %dma_start3A_273 = arith.constant 0 : i32
      %dma_start3A_274 = tpu.memref_slice %arg13[%dma_start3A_272, %dma_start3A_273] : memref<10000x64xf32, #tpu.memory_space<vmem_shared>> -> memref<10000x64xf32, #tpu.memory_space<vmem_shared>>
      tpu.enqueue_indirect_dma source(%dma_start3A_268 : memref<128x64xf32, #tpu.memory_space<vmem>>) target(%dma_start3A_274 : memref<10000x64xf32, #tpu.memory_space<vmem_shared>>) offsets(%dma_start3A_271 : memref<128xi32, #tpu.memory_space<vmem>>) semaphore(%arg16 : memref<!tpu.dma_semaphore, #tpu.memory_space<semaphore_mem>>) {add = true}
      %dma_start3A_275 = arith.constant 3 : i32
      %dma_start3A_276 = arith.constant 384 : i32
      %dma_start3A_277 = arith.constant 0 : i32
      %dma_start3A_278 = tpu.memref_slice %arg12[%dma_start3A_276, %dma_start3A_277] : memref<1024x64xf32, #tpu.memory_space<vmem>> -> memref<128x64xf32, #tpu.memory_space<vmem>>
      %dma_start3A_279 = arith.constant 0 : i32
      %dma_start3A_280 = tpu.memref_slice %arg10[%dma_start3A_275, %dma_start3A_279] : memref<8x128xi32, #tpu.memory_space<vmem>> -> memref<1x128xi32, #tpu.memory_space<vmem>>
      %dma_start3A_281 = tpu.memref_squeeze %dma_start3A_280 : memref<1x128xi32, #tpu.memory_space<vmem>> -> memref<128xi32, #tpu.memory_space<vmem>>
      %dma_start3A_282 = arith.constant 0 : i32
      %dma_start3A_283 = arith.constant 0 : i32
      %dma_start3A_284 = tpu.memref_slice %arg13[%dma_start3A_282, %dma_start3A_283] : memref<10000x64xf32, #tpu.memory_space<vmem_shared>> -> memref<10000x64xf32, #tpu.memory_space<vmem_shared>>
      tpu.enqueue_indirect_dma source(%dma_start3A_278 : memref<128x64xf32, #tpu.memory_space<vmem>>) target(%dma_start3A_284 : memref<10000x64xf32, #tpu.memory_space<vmem_shared>>) offsets(%dma_start3A_281 : memref<128xi32, #tpu.memory_space<vmem>>) semaphore(%arg16 : memref<!tpu.dma_semaphore, #tpu.memory_space<semaphore_mem>>) {add = true}
      %dma_start3A_285 = arith.constant 4 : i32
      %dma_start3A_286 = arith.constant 512 : i32
      %dma_start3A_287 = arith.constant 0 : i32
      %dma_start3A_288 = tpu.memref_slice %arg12[%dma_start3A_286, %dma_start3A_287] : memref<1024x64xf32, #tpu.memory_space<vmem>> -> memref<128x64xf32, #tpu.memory_space<vmem>>
      %dma_start3A_289 = arith.constant 0 : i32
      %dma_start3A_290 = tpu.memref_slice %arg10[%dma_start3A_285, %dma_start3A_289] : memref<8x128xi32, #tpu.memory_space<vmem>> -> memref<1x128xi32, #tpu.memory_space<vmem>>
      %dma_start3A_291 = tpu.memref_squeeze %dma_start3A_290 : memref<1x128xi32, #tpu.memory_space<vmem>> -> memref<128xi32, #tpu.memory_space<vmem>>
      %dma_start3A_292 = arith.constant 0 : i32
      %dma_start3A_293 = arith.constant 0 : i32
      %dma_start3A_294 = tpu.memref_slice %arg13[%dma_start3A_292, %dma_start3A_293] : memref<10000x64xf32, #tpu.memory_space<vmem_shared>> -> memref<10000x64xf32, #tpu.memory_space<vmem_shared>>
      tpu.enqueue_indirect_dma source(%dma_start3A_288 : memref<128x64xf32, #tpu.memory_space<vmem>>) target(%dma_start3A_294 : memref<10000x64xf32, #tpu.memory_space<vmem_shared>>) offsets(%dma_start3A_291 : memref<128xi32, #tpu.memory_space<vmem>>) semaphore(%arg16 : memref<!tpu.dma_semaphore, #tpu.memory_space<semaphore_mem>>) {add = true}
      %dma_start3A_295 = arith.constant 5 : i32
      %dma_start3A_296 = arith.constant 640 : i32
      %dma_start3A_297 = arith.constant 0 : i32
      %dma_start3A_298 = tpu.memref_slice %arg12[%dma_start3A_296, %dma_start3A_297] : memref<1024x64xf32, #tpu.memory_space<vmem>> -> memref<128x64xf32, #tpu.memory_space<vmem>>
      %dma_start3A_299 = arith.constant 0 : i32
      %dma_start3A_300 = tpu.memref_slice %arg10[%dma_start3A_295, %dma_start3A_299] : memref<8x128xi32, #tpu.memory_space<vmem>> -> memref<1x128xi32, #tpu.memory_space<vmem>>
      %dma_start3A_301 = tpu.memref_squeeze %dma_start3A_300 : memref<1x128xi32, #tpu.memory_space<vmem>> -> memref<128xi32, #tpu.memory_space<vmem>>
      %dma_start3A_302 = arith.constant 0 : i32
      %dma_start3A_303 = arith.constant 0 : i32
      %dma_start3A_304 = tpu.memref_slice %arg13[%dma_start3A_302, %dma_start3A_303] : memref<10000x64xf32, #tpu.memory_space<vmem_shared>> -> memref<10000x64xf32, #tpu.memory_space<vmem_shared>>
      tpu.enqueue_indirect_dma source(%dma_start3A_298 : memref<128x64xf32, #tpu.memory_space<vmem>>) target(%dma_start3A_304 : memref<10000x64xf32, #tpu.memory_space<vmem_shared>>) offsets(%dma_start3A_301 : memref<128xi32, #tpu.memory_space<vmem>>) semaphore(%arg16 : memref<!tpu.dma_semaphore, #tpu.memory_space<semaphore_mem>>) {add = true}
      %dma_start3A_305 = arith.constant 6 : i32
      %dma_start3A_306 = arith.constant 768 : i32
      %dma_start3A_307 = arith.constant 0 : i32
      %dma_start3A_308 = tpu.memref_slice %arg12[%dma_start3A_306, %dma_start3A_307] : memref<1024x64xf32, #tpu.memory_space<vmem>> -> memref<128x64xf32, #tpu.memory_space<vmem>>
      %dma_start3A_309 = arith.constant 0 : i32
      %dma_start3A_310 = tpu.memref_slice %arg10[%dma_start3A_305, %dma_start3A_309] : memref<8x128xi32, #tpu.memory_space<vmem>> -> memref<1x128xi32, #tpu.memory_space<vmem>>
      %dma_start3A_311 = tpu.memref_squeeze %dma_start3A_310 : memref<1x128xi32, #tpu.memory_space<vmem>> -> memref<128xi32, #tpu.memory_space<vmem>>
      %dma_start3A_312 = arith.constant 0 : i32
      %dma_start3A_313 = arith.constant 0 : i32
      %dma_start3A_314 = tpu.memref_slice %arg13[%dma_start3A_312, %dma_start3A_313] : memref<10000x64xf32, #tpu.memory_space<vmem_shared>> -> memref<10000x64xf32, #tpu.memory_space<vmem_shared>>
      tpu.enqueue_indirect_dma source(%dma_start3A_308 : memref<128x64xf32, #tpu.memory_space<vmem>>) target(%dma_start3A_314 : memref<10000x64xf32, #tpu.memory_space<vmem_shared>>) offsets(%dma_start3A_311 : memref<128xi32, #tpu.memory_space<vmem>>) semaphore(%arg16 : memref<!tpu.dma_semaphore, #tpu.memory_space<semaphore_mem>>) {add = true}
      %dma_start3A_315 = arith.constant 7 : i32
      %dma_start3A_316 = arith.constant 896 : i32
      %dma_start3A_317 = arith.constant 0 : i32
      %dma_start3A_318 = tpu.memref_slice %arg12[%dma_start3A_316, %dma_start3A_317] : memref<1024x64xf32, #tpu.memory_space<vmem>> -> memref<128x64xf32, #tpu.memory_space<vmem>>
      %dma_start3A_319 = arith.constant 0 : i32
      %dma_start3A_320 = tpu.memref_slice %arg10[%dma_start3A_315, %dma_start3A_319] : memref<8x128xi32, #tpu.memory_space<vmem>> -> memref<1x128xi32, #tpu.memory_space<vmem>>
      %dma_start3A_321 = tpu.memref_squeeze %dma_start3A_320 : memref<1x128xi32, #tpu.memory_space<vmem>> -> memref<128xi32, #tpu.memory_space<vmem>>
      %dma_start3A_322 = arith.constant 0 : i32
      %dma_start3A_323 = arith.constant 0 : i32
      %dma_start3A_324 = tpu.memref_slice %arg13[%dma_start3A_322, %dma_start3A_323] : memref<10000x64xf32, #tpu.memory_space<vmem_shared>> -> memref<10000x64xf32, #tpu.memory_space<vmem_shared>>
      tpu.enqueue_indirect_dma source(%dma_start3A_318 : memref<128x64xf32, #tpu.memory_space<vmem>>) target(%dma_start3A_324 : memref<10000x64xf32, #tpu.memory_space<vmem_shared>>) offsets(%dma_start3A_321 : memref<128xi32, #tpu.memory_space<vmem>>) semaphore(%arg16 : memref<!tpu.dma_semaphore, #tpu.memory_space<semaphore_mem>>) {add = true}
      %dma_wait3A_325 = arith.constant 0 : i32
      %dma_wait3A_326 = arith.constant 0 : i32
      %dma_wait3A_327 = arith.constant 0 : i32
      %dma_wait3A_328 = tpu.memref_slice %arg12[%dma_wait3A_326, %dma_wait3A_327] : memref<1024x64xf32, #tpu.memory_space<vmem>> -> memref<128x64xf32, #tpu.memory_space<vmem>>
      %dma_wait3A_329 = arith.constant 0 : i32
      %dma_wait3A_330 = tpu.memref_slice %arg10[%dma_wait3A_325, %dma_wait3A_329] : memref<8x128xi32, #tpu.memory_space<vmem>> -> memref<1x128xi32, #tpu.memory_space<vmem>>
      %dma_wait3A_331 = tpu.memref_squeeze %dma_wait3A_330 : memref<1x128xi32, #tpu.memory_space<vmem>> -> memref<128xi32, #tpu.memory_space<vmem>>
      %dma_wait3A_332 = arith.constant 0 : i32
      %dma_wait3A_333 = arith.constant 0 : i32
      %dma_wait3A_334 = tpu.memref_slice %arg13[%dma_wait3A_332, %dma_wait3A_333] : memref<10000x64xf32, #tpu.memory_space<vmem_shared>> -> memref<10000x64xf32, #tpu.memory_space<vmem_shared>>
      tpu.wait_indirect_dma semaphore(%arg16 : memref<!tpu.dma_semaphore, #tpu.memory_space<semaphore_mem>>) src(%dma_wait3A_328 : memref<128x64xf32, #tpu.memory_space<vmem>>) dst(%dma_wait3A_334 : memref<10000x64xf32, #tpu.memory_space<vmem_shared>>)
      %dma_wait3A_335 = arith.constant 1 : i32
      %dma_wait3A_336 = arith.constant 128 : i32
      %dma_wait3A_337 = arith.constant 0 : i32
      %dma_wait3A_338 = tpu.memref_slice %arg12[%dma_wait3A_336, %dma_wait3A_337] : memref<1024x64xf32, #tpu.memory_space<vmem>> -> memref<128x64xf32, #tpu.memory_space<vmem>>
      %dma_wait3A_339 = arith.constant 0 : i32
      %dma_wait3A_340 = tpu.memref_slice %arg10[%dma_wait3A_335, %dma_wait3A_339] : memref<8x128xi32, #tpu.memory_space<vmem>> -> memref<1x128xi32, #tpu.memory_space<vmem>>
      %dma_wait3A_341 = tpu.memref_squeeze %dma_wait3A_340 : memref<1x128xi32, #tpu.memory_space<vmem>> -> memref<128xi32, #tpu.memory_space<vmem>>
      %dma_wait3A_342 = arith.constant 0 : i32
      %dma_wait3A_343 = arith.constant 0 : i32
      %dma_wait3A_344 = tpu.memref_slice %arg13[%dma_wait3A_342, %dma_wait3A_343] : memref<10000x64xf32, #tpu.memory_space<vmem_shared>> -> memref<10000x64xf32, #tpu.memory_space<vmem_shared>>
      tpu.wait_indirect_dma semaphore(%arg16 : memref<!tpu.dma_semaphore, #tpu.memory_space<semaphore_mem>>) src(%dma_wait3A_338 : memref<128x64xf32, #tpu.memory_space<vmem>>) dst(%dma_wait3A_344 : memref<10000x64xf32, #tpu.memory_space<vmem_shared>>)
      %dma_wait3A_345 = arith.constant 2 : i32
      %dma_wait3A_346 = arith.constant 256 : i32
      %dma_wait3A_347 = arith.constant 0 : i32
      %dma_wait3A_348 = tpu.memref_slice %arg12[%dma_wait3A_346, %dma_wait3A_347] : memref<1024x64xf32, #tpu.memory_space<vmem>> -> memref<128x64xf32, #tpu.memory_space<vmem>>
      %dma_wait3A_349 = arith.constant 0 : i32
      %dma_wait3A_350 = tpu.memref_slice %arg10[%dma_wait3A_345, %dma_wait3A_349] : memref<8x128xi32, #tpu.memory_space<vmem>> -> memref<1x128xi32, #tpu.memory_space<vmem>>
      %dma_wait3A_351 = tpu.memref_squeeze %dma_wait3A_350 : memref<1x128xi32, #tpu.memory_space<vmem>> -> memref<128xi32, #tpu.memory_space<vmem>>
      %dma_wait3A_352 = arith.constant 0 : i32
      %dma_wait3A_353 = arith.constant 0 : i32
      %dma_wait3A_354 = tpu.memref_slice %arg13[%dma_wait3A_352, %dma_wait3A_353] : memref<10000x64xf32, #tpu.memory_space<vmem_shared>> -> memref<10000x64xf32, #tpu.memory_space<vmem_shared>>
      tpu.wait_indirect_dma semaphore(%arg16 : memref<!tpu.dma_semaphore, #tpu.memory_space<semaphore_mem>>) src(%dma_wait3A_348 : memref<128x64xf32, #tpu.memory_space<vmem>>) dst(%dma_wait3A_354 : memref<10000x64xf32, #tpu.memory_space<vmem_shared>>)
      %dma_wait3A_355 = arith.constant 3 : i32
      %dma_wait3A_356 = arith.constant 384 : i32
      %dma_wait3A_357 = arith.constant 0 : i32
      %dma_wait3A_358 = tpu.memref_slice %arg12[%dma_wait3A_356, %dma_wait3A_357] : memref<1024x64xf32, #tpu.memory_space<vmem>> -> memref<128x64xf32, #tpu.memory_space<vmem>>
      %dma_wait3A_359 = arith.constant 0 : i32
      %dma_wait3A_360 = tpu.memref_slice %arg10[%dma_wait3A_355, %dma_wait3A_359] : memref<8x128xi32, #tpu.memory_space<vmem>> -> memref<1x128xi32, #tpu.memory_space<vmem>>
      %dma_wait3A_361 = tpu.memref_squeeze %dma_wait3A_360 : memref<1x128xi32, #tpu.memory_space<vmem>> -> memref<128xi32, #tpu.memory_space<vmem>>
      %dma_wait3A_362 = arith.constant 0 : i32
      %dma_wait3A_363 = arith.constant 0 : i32
      %dma_wait3A_364 = tpu.memref_slice %arg13[%dma_wait3A_362, %dma_wait3A_363] : memref<10000x64xf32, #tpu.memory_space<vmem_shared>> -> memref<10000x64xf32, #tpu.memory_space<vmem_shared>>
      tpu.wait_indirect_dma semaphore(%arg16 : memref<!tpu.dma_semaphore, #tpu.memory_space<semaphore_mem>>) src(%dma_wait3A_358 : memref<128x64xf32, #tpu.memory_space<vmem>>) dst(%dma_wait3A_364 : memref<10000x64xf32, #tpu.memory_space<vmem_shared>>)
      %dma_wait3A_365 = arith.constant 4 : i32
      %dma_wait3A_366 = arith.constant 512 : i32
      %dma_wait3A_367 = arith.constant 0 : i32
      %dma_wait3A_368 = tpu.memref_slice %arg12[%dma_wait3A_366, %dma_wait3A_367] : memref<1024x64xf32, #tpu.memory_space<vmem>> -> memref<128x64xf32, #tpu.memory_space<vmem>>
      %dma_wait3A_369 = arith.constant 0 : i32
      %dma_wait3A_370 = tpu.memref_slice %arg10[%dma_wait3A_365, %dma_wait3A_369] : memref<8x128xi32, #tpu.memory_space<vmem>> -> memref<1x128xi32, #tpu.memory_space<vmem>>
      %dma_wait3A_371 = tpu.memref_squeeze %dma_wait3A_370 : memref<1x128xi32, #tpu.memory_space<vmem>> -> memref<128xi32, #tpu.memory_space<vmem>>
      %dma_wait3A_372 = arith.constant 0 : i32
      %dma_wait3A_373 = arith.constant 0 : i32
      %dma_wait3A_374 = tpu.memref_slice %arg13[%dma_wait3A_372, %dma_wait3A_373] : memref<10000x64xf32, #tpu.memory_space<vmem_shared>> -> memref<10000x64xf32, #tpu.memory_space<vmem_shared>>
      tpu.wait_indirect_dma semaphore(%arg16 : memref<!tpu.dma_semaphore, #tpu.memory_space<semaphore_mem>>) src(%dma_wait3A_368 : memref<128x64xf32, #tpu.memory_space<vmem>>) dst(%dma_wait3A_374 : memref<10000x64xf32, #tpu.memory_space<vmem_shared>>)
      %dma_wait3A_375 = arith.constant 5 : i32
      %dma_wait3A_376 = arith.constant 640 : i32
      %dma_wait3A_377 = arith.constant 0 : i32
      %dma_wait3A_378 = tpu.memref_slice %arg12[%dma_wait3A_376, %dma_wait3A_377] : memref<1024x64xf32, #tpu.memory_space<vmem>> -> memref<128x64xf32, #tpu.memory_space<vmem>>
      %dma_wait3A_379 = arith.constant 0 : i32
      %dma_wait3A_380 = tpu.memref_slice %arg10[%dma_wait3A_375, %dma_wait3A_379] : memref<8x128xi32, #tpu.memory_space<vmem>> -> memref<1x128xi32, #tpu.memory_space<vmem>>
      %dma_wait3A_381 = tpu.memref_squeeze %dma_wait3A_380 : memref<1x128xi32, #tpu.memory_space<vmem>> -> memref<128xi32, #tpu.memory_space<vmem>>
      %dma_wait3A_382 = arith.constant 0 : i32
      %dma_wait3A_383 = arith.constant 0 : i32
      %dma_wait3A_384 = tpu.memref_slice %arg13[%dma_wait3A_382, %dma_wait3A_383] : memref<10000x64xf32, #tpu.memory_space<vmem_shared>> -> memref<10000x64xf32, #tpu.memory_space<vmem_shared>>
      tpu.wait_indirect_dma semaphore(%arg16 : memref<!tpu.dma_semaphore, #tpu.memory_space<semaphore_mem>>) src(%dma_wait3A_378 : memref<128x64xf32, #tpu.memory_space<vmem>>) dst(%dma_wait3A_384 : memref<10000x64xf32, #tpu.memory_space<vmem_shared>>)
      %dma_wait3A_385 = arith.constant 6 : i32
      %dma_wait3A_386 = arith.constant 768 : i32
      %dma_wait3A_387 = arith.constant 0 : i32
      %dma_wait3A_388 = tpu.memref_slice %arg12[%dma_wait3A_386, %dma_wait3A_387] : memref<1024x64xf32, #tpu.memory_space<vmem>> -> memref<128x64xf32, #tpu.memory_space<vmem>>
      %dma_wait3A_389 = arith.constant 0 : i32
      %dma_wait3A_390 = tpu.memref_slice %arg10[%dma_wait3A_385, %dma_wait3A_389] : memref<8x128xi32, #tpu.memory_space<vmem>> -> memref<1x128xi32, #tpu.memory_space<vmem>>
      %dma_wait3A_391 = tpu.memref_squeeze %dma_wait3A_390 : memref<1x128xi32, #tpu.memory_space<vmem>> -> memref<128xi32, #tpu.memory_space<vmem>>
      %dma_wait3A_392 = arith.constant 0 : i32
      %dma_wait3A_393 = arith.constant 0 : i32
      %dma_wait3A_394 = tpu.memref_slice %arg13[%dma_wait3A_392, %dma_wait3A_393] : memref<10000x64xf32, #tpu.memory_space<vmem_shared>> -> memref<10000x64xf32, #tpu.memory_space<vmem_shared>>
      tpu.wait_indirect_dma semaphore(%arg16 : memref<!tpu.dma_semaphore, #tpu.memory_space<semaphore_mem>>) src(%dma_wait3A_388 : memref<128x64xf32, #tpu.memory_space<vmem>>) dst(%dma_wait3A_394 : memref<10000x64xf32, #tpu.memory_space<vmem_shared>>)
      %dma_wait3A_395 = arith.constant 7 : i32
      %dma_wait3A_396 = arith.constant 896 : i32
      %dma_wait3A_397 = arith.constant 0 : i32
      %dma_wait3A_398 = tpu.memref_slice %arg12[%dma_wait3A_396, %dma_wait3A_397] : memref<1024x64xf32, #tpu.memory_space<vmem>> -> memref<128x64xf32, #tpu.memory_space<vmem>>
      %dma_wait3A_399 = arith.constant 0 : i32
      %dma_wait3A_400 = tpu.memref_slice %arg10[%dma_wait3A_395, %dma_wait3A_399] : memref<8x128xi32, #tpu.memory_space<vmem>> -> memref<1x128xi32, #tpu.memory_space<vmem>>
      %dma_wait3A_401 = tpu.memref_squeeze %dma_wait3A_400 : memref<1x128xi32, #tpu.memory_space<vmem>> -> memref<128xi32, #tpu.memory_space<vmem>>
      %dma_wait3A_402 = arith.constant 0 : i32
      %dma_wait3A_403 = arith.constant 0 : i32
      %dma_wait3A_404 = tpu.memref_slice %arg13[%dma_wait3A_402, %dma_wait3A_403] : memref<10000x64xf32, #tpu.memory_space<vmem_shared>> -> memref<10000x64xf32, #tpu.memory_space<vmem_shared>>
      tpu.wait_indirect_dma semaphore(%arg16 : memref<!tpu.dma_semaphore, #tpu.memory_space<semaphore_mem>>) src(%dma_wait3A_398 : memref<128x64xf32, #tpu.memory_space<vmem>>) dst(%dma_wait3A_404 : memref<10000x64xf32, #tpu.memory_space<vmem_shared>>)
    }
    %barrier3A_23 = arith.constant 0 : index
    tpu.barrier barrier_id(%barrier3A_23)
    %eq3A_24 = arith.constant 0 : i32
    %eq3A_25 = arith.cmpi eq, %arg0, %eq3A_24 : i32
    %lt3A_26 = arith.constant 15 : i32
    %lt3A_27 = arith.cmpi slt, %arg1, %lt3A_26 : i32
    %and3A = arith.andi %eq3A_25, %lt3A_27 : i1
    %convert_element_type3A_28 = arith.extui %and3A : i1 to i32
    %cond3A_29 = arith.constant 0 : i32
    %cond3A_30 = arith.cmpi ne, %convert_element_type3A_28, %cond3A_29 : i32
    scf.if %cond3A_30 {
      "tpu.region"() ({
        %run_scoped3A = tpu.sem_alloc : memref<!tpu.dma_semaphore, #tpu.memory_space<semaphore_mem>>
        %dma_start3A = arith.constant 0 : i32
        %dma_start3A_55 = tpu.memref_slice %arg7[%multiple_of3A, %dma_start3A] : memref<10000x64xf32, #tpu.memory_space<hbm>> -> memref<632x64xf32, #tpu.memory_space<hbm>>
        %dma_start3A_56 = arith.constant 0 : i32
        %dma_start3A_57 = tpu.memref_slice %arg13[%multiple_of3A, %dma_start3A_56] : memref<10000x64xf32, #tpu.memory_space<vmem_shared>> -> memref<632x64xf32, #tpu.memory_space<vmem_shared>>
        tpu.enqueue_dma source(%dma_start3A_57 : memref<632x64xf32, #tpu.memory_space<vmem_shared>>) target(%dma_start3A_55 : memref<632x64xf32, #tpu.memory_space<hbm>>) target_semaphore(%run_scoped3A : memref<!tpu.dma_semaphore, #tpu.memory_space<semaphore_mem>>)
        %dma_wait3A = arith.constant 0 : i32
        %dma_wait3A_58 = tpu.memref_slice %arg7[%multiple_of3A, %dma_wait3A] : memref<10000x64xf32, #tpu.memory_space<hbm>> -> memref<632x64xf32, #tpu.memory_space<hbm>>
        %dma_wait3A_59 = arith.constant 0 : i32
        %dma_wait3A_60 = tpu.memref_slice %arg13[%multiple_of3A, %dma_wait3A_59] : memref<10000x64xf32, #tpu.memory_space<vmem_shared>> -> memref<632x64xf32, #tpu.memory_space<vmem_shared>>
        tpu.wait_dma2 semaphore(%run_scoped3A : memref<!tpu.dma_semaphore, #tpu.memory_space<semaphore_mem>>) src(%dma_wait3A_60 : memref<632x64xf32, #tpu.memory_space<vmem_shared>>) dst(%dma_wait3A_58 : memref<632x64xf32, #tpu.memory_space<hbm>>)
        tpu.yield
      }) : () -> ()
    } else {
    }
    %eq3A_31 = arith.constant 0 : i32
    %eq3A_32 = arith.cmpi eq, %arg0, %eq3A_31 : i32
    %eq3A_33 = arith.constant 15 : i32
    %eq3A_34 = arith.cmpi eq, %arg1, %eq3A_33 : i32
    %and3A_35 = arith.andi %eq3A_32, %eq3A_34 : i1
    %convert_element_type3A_36 = arith.extui %and3A_35 : i1 to i32
    %cond3A_37 = arith.constant 0 : i32
    %cond3A_38 = arith.cmpi ne, %convert_element_type3A_36, %cond3A_37 : i32
    scf.if %cond3A_38 {
      "tpu.region"() ({
        %run_scoped3A = tpu.sem_alloc : memref<!tpu.dma_semaphore, #tpu.memory_space<semaphore_mem>>
        %dma_start3A = arith.constant 9480 : i32
        %dma_start3A_55 = arith.constant 0 : i32
        %dma_start3A_56 = tpu.memref_slice %arg7[%dma_start3A, %dma_start3A_55] : memref<10000x64xf32, #tpu.memory_space<hbm>> -> memref<520x64xf32, #tpu.memory_space<hbm>>
        %dma_start3A_57 = arith.constant 9480 : i32
        %dma_start3A_58 = arith.constant 0 : i32
        %dma_start3A_59 = tpu.memref_slice %arg13[%dma_start3A_57, %dma_start3A_58] : memref<10000x64xf32, #tpu.memory_space<vmem_shared>> -> memref<520x64xf32, #tpu.memory_space<vmem_shared>>
        tpu.enqueue_dma source(%dma_start3A_59 : memref<520x64xf32, #tpu.memory_space<vmem_shared>>) target(%dma_start3A_56 : memref<520x64xf32, #tpu.memory_space<hbm>>) target_semaphore(%run_scoped3A : memref<!tpu.dma_semaphore, #tpu.memory_space<semaphore_mem>>)
        %dma_wait3A = arith.constant 9480 : i32
        %dma_wait3A_60 = arith.constant 0 : i32
        %dma_wait3A_61 = tpu.memref_slice %arg7[%dma_wait3A, %dma_wait3A_60] : memref<10000x64xf32, #tpu.memory_space<hbm>> -> memref<520x64xf32, #tpu.memory_space<hbm>>
        %dma_wait3A_62 = arith.constant 9480 : i32
        %dma_wait3A_63 = arith.constant 0 : i32
        %dma_wait3A_64 = tpu.memref_slice %arg13[%dma_wait3A_62, %dma_wait3A_63] : memref<10000x64xf32, #tpu.memory_space<vmem_shared>> -> memref<520x64xf32, #tpu.memory_space<vmem_shared>>
        tpu.wait_dma2 semaphore(%run_scoped3A : memref<!tpu.dma_semaphore, #tpu.memory_space<semaphore_mem>>) src(%dma_wait3A_64 : memref<520x64xf32, #tpu.memory_space<vmem_shared>>) dst(%dma_wait3A_61 : memref<520x64xf32, #tpu.memory_space<hbm>>)
        tpu.yield
      }) : () -> ()
    } else {
    }
    %eq3A_39 = arith.constant 1 : i32
    %eq3A_40 = arith.cmpi eq, %arg0, %eq3A_39 : i32
    %lt3A_41 = arith.constant 15 : i32
    %lt3A_42 = arith.cmpi slt, %arg1, %lt3A_41 : i32
    %and3A_43 = arith.andi %eq3A_40, %lt3A_42 : i1
    %convert_element_type3A_44 = arith.extui %and3A_43 : i1 to i32
    %cond3A_45 = arith.constant 0 : i32
    %cond3A_46 = arith.cmpi ne, %convert_element_type3A_44, %cond3A_45 : i32
    scf.if %cond3A_46 {
      "tpu.region"() ({
        %run_scoped3A = tpu.sem_alloc : memref<!tpu.dma_semaphore, #tpu.memory_space<semaphore_mem>>
        %dma_start3A = arith.constant 0 : i32
        %dma_start3A_55 = tpu.memref_slice %arg8[%multiple_of3A, %dma_start3A] : memref<10000x64xf32, #tpu.memory_space<hbm>> -> memref<632x64xf32, #tpu.memory_space<hbm>>
        %dma_start3A_56 = arith.constant 0 : i32
        %dma_start3A_57 = tpu.memref_slice %arg13[%multiple_of3A, %dma_start3A_56] : memref<10000x64xf32, #tpu.memory_space<vmem_shared>> -> memref<632x64xf32, #tpu.memory_space<vmem_shared>>
        tpu.enqueue_dma source(%dma_start3A_57 : memref<632x64xf32, #tpu.memory_space<vmem_shared>>) target(%dma_start3A_55 : memref<632x64xf32, #tpu.memory_space<hbm>>) target_semaphore(%run_scoped3A : memref<!tpu.dma_semaphore, #tpu.memory_space<semaphore_mem>>)
        %dma_wait3A = arith.constant 0 : i32
        %dma_wait3A_58 = tpu.memref_slice %arg8[%multiple_of3A, %dma_wait3A] : memref<10000x64xf32, #tpu.memory_space<hbm>> -> memref<632x64xf32, #tpu.memory_space<hbm>>
        %dma_wait3A_59 = arith.constant 0 : i32
        %dma_wait3A_60 = tpu.memref_slice %arg13[%multiple_of3A, %dma_wait3A_59] : memref<10000x64xf32, #tpu.memory_space<vmem_shared>> -> memref<632x64xf32, #tpu.memory_space<vmem_shared>>
        tpu.wait_dma2 semaphore(%run_scoped3A : memref<!tpu.dma_semaphore, #tpu.memory_space<semaphore_mem>>) src(%dma_wait3A_60 : memref<632x64xf32, #tpu.memory_space<vmem_shared>>) dst(%dma_wait3A_58 : memref<632x64xf32, #tpu.memory_space<hbm>>)
        tpu.yield
      }) : () -> ()
    } else {
    }
    %eq3A_47 = arith.constant 1 : i32
    %eq3A_48 = arith.cmpi eq, %arg0, %eq3A_47 : i32
    %eq3A_49 = arith.constant 15 : i32
    %eq3A_50 = arith.cmpi eq, %arg1, %eq3A_49 : i32
    %and3A_51 = arith.andi %eq3A_48, %eq3A_50 : i1
    %convert_element_type3A_52 = arith.extui %and3A_51 : i1 to i32
    %cond3A_53 = arith.constant 0 : i32
    %cond3A_54 = arith.cmpi ne, %convert_element_type3A_52, %cond3A_53 : i32
    scf.if %cond3A_54 {
      "tpu.region"() ({
        %run_scoped3A = tpu.sem_alloc : memref<!tpu.dma_semaphore, #tpu.memory_space<semaphore_mem>>
        %dma_start3A = arith.constant 9480 : i32
        %dma_start3A_55 = arith.constant 0 : i32
        %dma_start3A_56 = tpu.memref_slice %arg8[%dma_start3A, %dma_start3A_55] : memref<10000x64xf32, #tpu.memory_space<hbm>> -> memref<520x64xf32, #tpu.memory_space<hbm>>
        %dma_start3A_57 = arith.constant 9480 : i32
        %dma_start3A_58 = arith.constant 0 : i32
        %dma_start3A_59 = tpu.memref_slice %arg13[%dma_start3A_57, %dma_start3A_58] : memref<10000x64xf32, #tpu.memory_space<vmem_shared>> -> memref<520x64xf32, #tpu.memory_space<vmem_shared>>
        tpu.enqueue_dma source(%dma_start3A_59 : memref<520x64xf32, #tpu.memory_space<vmem_shared>>) target(%dma_start3A_56 : memref<520x64xf32, #tpu.memory_space<hbm>>) target_semaphore(%run_scoped3A : memref<!tpu.dma_semaphore, #tpu.memory_space<semaphore_mem>>)
        %dma_wait3A = arith.constant 9480 : i32
        %dma_wait3A_60 = arith.constant 0 : i32
        %dma_wait3A_61 = tpu.memref_slice %arg8[%dma_wait3A, %dma_wait3A_60] : memref<10000x64xf32, #tpu.memory_space<hbm>> -> memref<520x64xf32, #tpu.memory_space<hbm>>
        %dma_wait3A_62 = arith.constant 9480 : i32
        %dma_wait3A_63 = arith.constant 0 : i32
        %dma_wait3A_64 = tpu.memref_slice %arg13[%dma_wait3A_62, %dma_wait3A_63] : memref<10000x64xf32, #tpu.memory_space<vmem_shared>> -> memref<520x64xf32, #tpu.memory_space<vmem_shared>>
        tpu.wait_dma2 semaphore(%run_scoped3A : memref<!tpu.dma_semaphore, #tpu.memory_space<semaphore_mem>>) src(%dma_wait3A_64 : memref<520x64xf32, #tpu.memory_space<vmem_shared>>) dst(%dma_wait3A_61 : memref<520x64xf32, #tpu.memory_space<hbm>>)
        tpu.yield
      }) : () -> ()
    } else {
    }
    return
  }
}

#map = affine_map<(d0, d1) -> (0, 0)>
#map1 = affine_map<(d0, d1) -> (0)>
module attributes {stable_mosaic.version = 14 : i64} {
  func.func @gather_kernel(%arg0: i32, %arg1: i32, %arg2: memref<10000x16xf32, #tpu.memory_space<hbm>>, %arg3: memref<1024xi32, #tpu.memory_space<hbm>>, %arg4: memref<1024x16xf32, #tpu.memory_space<hbm>>, %arg5: memref<32xi32, #tpu.memory_space<vmem>>, %arg6: memref<32x16xf32, #tpu.memory_space<vmem>>, %arg7: memref<!tpu.dma_semaphore, #tpu.memory_space<semaphore_mem>>) attributes {dimension_semantics = [#tpu.dimension_semantics<core_parallel>, #tpu.dimension_semantics<subcore_parallel>], iteration_bounds = array<i64: 2, 16>, scalar_prefetch = 0 : i64, scratch_operands = 3 : i64, tpu.core_type = #tpu.core_type<sc_vector_subcore>, window_params = [{transform_indices = #map}, {transform_indices = #map1}, {transform_indices = #map}]} {
    %mul3A = arith.constant 2 : i32
    %mul3A_0 = arith.muli %arg1, %mul3A : i32
    %add3A = arith.addi %mul3A_0, %arg0 : i32
    %mul3A_1 = arith.constant 32 : i32
    %mul3A_2 = arith.muli %add3A, %mul3A_1 : i32
    %multiple_of3A = tpu.assume_multiple %mul3A_2, 8 : i32
    "tpu.region"() ({
      %run_scoped3A = tpu.sem_alloc : memref<!tpu.dma_semaphore, #tpu.memory_space<semaphore_mem>>
      %dma_start3A_7 = tpu.memref_slice %arg3[%multiple_of3A] : memref<1024xi32, #tpu.memory_space<hbm>> -> memref<32xi32, #tpu.memory_space<hbm>>
      %dma_start3A_8 = tpu.memref_slice %arg3[%multiple_of3A] : memref<1024xi32, #tpu.memory_space<hbm>> -> memref<32xi32, #tpu.memory_space<hbm>>
      tpu.enqueue_dma source(%dma_start3A_8 : memref<32xi32, #tpu.memory_space<hbm>>) target(%arg5 : memref<32xi32, #tpu.memory_space<vmem>>) target_semaphore(%run_scoped3A : memref<!tpu.dma_semaphore, #tpu.memory_space<semaphore_mem>>)
      %dma_wait3A_9 = tpu.memref_slice %arg3[%multiple_of3A] : memref<1024xi32, #tpu.memory_space<hbm>> -> memref<32xi32, #tpu.memory_space<hbm>>
      %dma_wait3A_10 = tpu.memref_slice %arg3[%multiple_of3A] : memref<1024xi32, #tpu.memory_space<hbm>> -> memref<32xi32, #tpu.memory_space<hbm>>
      tpu.wait_dma2 semaphore(%run_scoped3A : memref<!tpu.dma_semaphore, #tpu.memory_space<semaphore_mem>>) src(%dma_wait3A_10 : memref<32xi32, #tpu.memory_space<hbm>>) dst(%arg5 : memref<32xi32, #tpu.memory_space<vmem>>)
      tpu.yield
    }) : () -> ()
    %dma_start3A = arith.constant 0 : i32
    %dma_start3A_3 = arith.constant 0 : i32
    %dma_start3A_4 = tpu.memref_slice %arg2[%dma_start3A, %dma_start3A_3] : memref<10000x16xf32, #tpu.memory_space<hbm>> -> memref<10000x16xf32, #tpu.memory_space<hbm>>
    tpu.enqueue_indirect_dma source(%dma_start3A_4 : memref<10000x16xf32, #tpu.memory_space<hbm>>) target(%arg6 : memref<32x16xf32, #tpu.memory_space<vmem>>) offsets(%arg5 : memref<32xi32, #tpu.memory_space<vmem>>) semaphore(%arg7 : memref<!tpu.dma_semaphore, #tpu.memory_space<semaphore_mem>>)
    %dma_wait3A = arith.constant 0 : i32
    %dma_wait3A_5 = arith.constant 0 : i32
    %dma_wait3A_6 = tpu.memref_slice %arg2[%dma_wait3A, %dma_wait3A_5] : memref<10000x16xf32, #tpu.memory_space<hbm>> -> memref<10000x16xf32, #tpu.memory_space<hbm>>
    tpu.wait_indirect_dma semaphore(%arg7 : memref<!tpu.dma_semaphore, #tpu.memory_space<semaphore_mem>>) src(%dma_wait3A_6 : memref<10000x16xf32, #tpu.memory_space<hbm>>) dst(%arg6 : memref<32x16xf32, #tpu.memory_space<vmem>>)
    "tpu.region"() ({
      %run_scoped3A = tpu.sem_alloc : memref<!tpu.dma_semaphore, #tpu.memory_space<semaphore_mem>>
      %dma_start3A_7 = arith.constant 0 : i32
      %dma_start3A_8 = tpu.memref_slice %arg4[%multiple_of3A, %dma_start3A_7] : memref<1024x16xf32, #tpu.memory_space<hbm>> -> memref<32x16xf32, #tpu.memory_space<hbm>>
      %dma_start3A_9 = arith.constant 0 : i32
      %dma_start3A_10 = tpu.memref_slice %arg4[%multiple_of3A, %dma_start3A_9] : memref<1024x16xf32, #tpu.memory_space<hbm>> -> memref<32x16xf32, #tpu.memory_space<hbm>>
      tpu.enqueue_dma source(%arg6 : memref<32x16xf32, #tpu.memory_space<vmem>>) target(%dma_start3A_10 : memref<32x16xf32, #tpu.memory_space<hbm>>) target_semaphore(%run_scoped3A : memref<!tpu.dma_semaphore, #tpu.memory_space<semaphore_mem>>)
      %dma_wait3A_11 = arith.constant 0 : i32
      %dma_wait3A_12 = tpu.memref_slice %arg4[%multiple_of3A, %dma_wait3A_11] : memref<1024x16xf32, #tpu.memory_space<hbm>> -> memref<32x16xf32, #tpu.memory_space<hbm>>
      %dma_wait3A_13 = arith.constant 0 : i32
      %dma_wait3A_14 = tpu.memref_slice %arg4[%multiple_of3A, %dma_wait3A_13] : memref<1024x16xf32, #tpu.memory_space<hbm>> -> memref<32x16xf32, #tpu.memory_space<hbm>>
      tpu.wait_dma2 semaphore(%run_scoped3A : memref<!tpu.dma_semaphore, #tpu.memory_space<semaphore_mem>>) src(%arg6 : memref<32x16xf32, #tpu.memory_space<vmem>>) dst(%dma_wait3A_14 : memref<32x16xf32, #tpu.memory_space<hbm>>)
      tpu.yield
    }) : () -> ()
    return
  }
}

module attributes {stable_mosaic.version = 14 : i64} {
  func.func @_tc1_body(%arg0: memref<10000x128xf32, #tpu.memory_space<vmem>>, %arg1: memref<2500x128xf32, #tpu.memory_space<vmem>>, %arg2: memref<128x64xf32, #tpu.memory_space<vmem>>, %arg3: memref<1x64xf32, #tpu.memory_space<vmem>>, %arg4: memref<64x64xf32, #tpu.memory_space<vmem>>, %arg5: memref<1x64xf32, #tpu.memory_space<vmem>>, %arg6: memref<64x64xf32, #tpu.memory_space<vmem>>, %arg7: memref<1x64xf32, #tpu.memory_space<vmem>>, %arg8: memref<64x64xf32, #tpu.memory_space<vmem>>, %arg9: memref<1x64xf32, #tpu.memory_space<vmem>>, %arg10: memref<10000x64xf32, #tpu.memory_space<vmem>>, %arg11: memref<10000x64xf32, #tpu.memory_space<vmem>>, %arg12: memref<1x1xf32, #tpu.memory_space<vmem>>) attributes {dimension_semantics = [], scalar_prefetch = 0 : i64, scratch_operands = 0 : i64, tpu.core_type = #tpu.core_type<tc>} {
    %get3A = arith.constant 0 : index
    %get3A_0 = arith.constant 0 : index
    %get3A_1 = vector.load %arg0[%get3A, %get3A_0] : memref<10000x128xf32, #tpu.memory_space<vmem>>, vector<10000x128xf32>
    %get3A_2 = arith.constant 0 : index
    %get3A_3 = arith.constant 0 : index
    %get3A_4 = vector.load %arg2[%get3A_2, %get3A_3] : memref<128x64xf32, #tpu.memory_space<vmem>>, vector<128x64xf32>
    %dot_general3A = arith.constant dense<0.000000e+00> : vector<10000x64xf32>
    %dot_general3A_5 = tpu.matmul %get3A_1, %get3A_4, %dot_general3A {dimension_numbers = #tpu.dot_dimension_numbers<[1], [0], [0], [1], [0, 0, 1, 1], [], []>, transpose_lhs_hint = false} : vector<10000x128xf32>, vector<128x64xf32>, vector<10000x64xf32> -> vector<10000x64xf32>
    %get3A_6 = arith.constant 0 : index
    %get3A_7 = arith.constant 0 : index
    %get3A_8 = vector.load %arg3[%get3A_6, %get3A_7] : memref<1x64xf32, #tpu.memory_space<vmem>>, vector<1x64xf32>
    %add3A = vector.broadcast %get3A_8 : vector<1x64xf32> to vector<10000x64xf32>
    %add3A_9 = arith.addf %dot_general3A_5, %add3A : vector<10000x64xf32>
    %mul3A = arith.constant 5.000000e-01 : f32
    %mul3A_10 = vector.broadcast %mul3A : f32 to vector<10000x64xf32>
    %mul3A_11 = arith.mulf %mul3A_10, %add3A_9 : vector<10000x64xf32>
    %div3A = arith.constant 1.41421354 : f32
    %div3A_12 = vector.broadcast %div3A : f32 to vector<10000x64xf32>
    %div3A_13 = arith.divf %add3A_9, %div3A_12 : vector<10000x64xf32>
    %erf3A = math.erf %div3A_13 : vector<10000x64xf32>
    %add3A_14 = arith.constant 1.000000e+00 : f32
    %add3A_15 = vector.broadcast %add3A_14 : f32 to vector<10000x64xf32>
    %add3A_16 = arith.addf %add3A_15, %erf3A : vector<10000x64xf32>
    %mul3A_17 = arith.mulf %mul3A_11, %add3A_16 : vector<10000x64xf32>
    %get3A_18 = arith.constant 0 : index
    %get3A_19 = arith.constant 0 : index
    %get3A_20 = vector.load %arg4[%get3A_18, %get3A_19] : memref<64x64xf32, #tpu.memory_space<vmem>>, vector<64x64xf32>
    %dot_general3A_21 = arith.constant dense<0.000000e+00> : vector<10000x64xf32>
    %dot_general3A_22 = tpu.matmul %mul3A_17, %get3A_20, %dot_general3A_21 {dimension_numbers = #tpu.dot_dimension_numbers<[1], [0], [0], [1], [0, 0, 1, 1], [], []>, transpose_lhs_hint = false} : vector<10000x64xf32>, vector<64x64xf32>, vector<10000x64xf32> -> vector<10000x64xf32>
    %get3A_23 = arith.constant 0 : index
    %get3A_24 = arith.constant 0 : index
    %get3A_25 = vector.load %arg5[%get3A_23, %get3A_24] : memref<1x64xf32, #tpu.memory_space<vmem>>, vector<1x64xf32>
    %add3A_26 = vector.broadcast %get3A_25 : vector<1x64xf32> to vector<10000x64xf32>
    %add3A_27 = arith.addf %dot_general3A_22, %add3A_26 : vector<10000x64xf32>
    %mul3A_28 = arith.constant 5.000000e-01 : f32
    %mul3A_29 = vector.broadcast %mul3A_28 : f32 to vector<10000x64xf32>
    %mul3A_30 = arith.mulf %mul3A_29, %add3A_27 : vector<10000x64xf32>
    %div3A_31 = arith.constant 1.41421354 : f32
    %div3A_32 = vector.broadcast %div3A_31 : f32 to vector<10000x64xf32>
    %div3A_33 = arith.divf %add3A_27, %div3A_32 : vector<10000x64xf32>
    %erf3A_34 = math.erf %div3A_33 : vector<10000x64xf32>
    %add3A_35 = arith.constant 1.000000e+00 : f32
    %add3A_36 = vector.broadcast %add3A_35 : f32 to vector<10000x64xf32>
    %add3A_37 = arith.addf %add3A_36, %erf3A_34 : vector<10000x64xf32>
    %mul3A_38 = arith.mulf %mul3A_30, %add3A_37 : vector<10000x64xf32>
    %swap3A = arith.constant 0 : index
    %swap3A_39 = arith.constant 0 : index
    %swap3A_40 = vector.load %arg10[%swap3A, %swap3A_39] : memref<10000x64xf32, #tpu.memory_space<vmem>>, vector<10000x64xf32>
    tpu.vector_store %arg10[%swap3A, %swap3A_39], %mul3A_38 {strides = array<i32>} : memref<10000x64xf32, #tpu.memory_space<vmem>>, vector<10000x64xf32>,
    %get3A_41 = arith.constant 0 : index
    %get3A_42 = arith.constant 0 : index
    %get3A_43 = vector.load %arg6[%get3A_41, %get3A_42] : memref<64x64xf32, #tpu.memory_space<vmem>>, vector<64x64xf32>
    %dot_general3A_44 = arith.constant dense<0.000000e+00> : vector<10000x64xf32>
    %dot_general3A_45 = tpu.matmul %mul3A_38, %get3A_43, %dot_general3A_44 {dimension_numbers = #tpu.dot_dimension_numbers<[1], [0], [0], [1], [0, 0, 1, 1], [], []>, transpose_lhs_hint = false} : vector<10000x64xf32>, vector<64x64xf32>, vector<10000x64xf32> -> vector<10000x64xf32>
    %get3A_46 = arith.constant 0 : index
    %get3A_47 = arith.constant 0 : index
    %get3A_48 = vector.load %arg7[%get3A_46, %get3A_47] : memref<1x64xf32, #tpu.memory_space<vmem>>, vector<1x64xf32>
    %add3A_49 = vector.broadcast %get3A_48 : vector<1x64xf32> to vector<10000x64xf32>
    %add3A_50 = arith.addf %dot_general3A_45, %add3A_49 : vector<10000x64xf32>
    %mul3A_51 = arith.constant 5.000000e-01 : f32
    %mul3A_52 = vector.broadcast %mul3A_51 : f32 to vector<10000x64xf32>
    %mul3A_53 = arith.mulf %mul3A_52, %add3A_50 : vector<10000x64xf32>
    %div3A_54 = arith.constant 1.41421354 : f32
    %div3A_55 = vector.broadcast %div3A_54 : f32 to vector<10000x64xf32>
    %div3A_56 = arith.divf %add3A_50, %div3A_55 : vector<10000x64xf32>
    %erf3A_57 = math.erf %div3A_56 : vector<10000x64xf32>
    %add3A_58 = arith.constant 1.000000e+00 : f32
    %add3A_59 = vector.broadcast %add3A_58 : f32 to vector<10000x64xf32>
    %add3A_60 = arith.addf %add3A_59, %erf3A_57 : vector<10000x64xf32>
    %mul3A_61 = arith.mulf %mul3A_53, %add3A_60 : vector<10000x64xf32>
    %get3A_62 = arith.constant 0 : index
    %get3A_63 = arith.constant 0 : index
    %get3A_64 = vector.load %arg8[%get3A_62, %get3A_63] : memref<64x64xf32, #tpu.memory_space<vmem>>, vector<64x64xf32>
    %dot_general3A_65 = arith.constant dense<0.000000e+00> : vector<10000x64xf32>
    %dot_general3A_66 = tpu.matmul %mul3A_61, %get3A_64, %dot_general3A_65 {dimension_numbers = #tpu.dot_dimension_numbers<[1], [0], [0], [1], [0, 0, 1, 1], [], []>, transpose_lhs_hint = false} : vector<10000x64xf32>, vector<64x64xf32>, vector<10000x64xf32> -> vector<10000x64xf32>
    %get3A_67 = arith.constant 0 : index
    %get3A_68 = arith.constant 0 : index
    %get3A_69 = vector.load %arg9[%get3A_67, %get3A_68] : memref<1x64xf32, #tpu.memory_space<vmem>>, vector<1x64xf32>
    %add3A_70 = vector.broadcast %get3A_69 : vector<1x64xf32> to vector<10000x64xf32>
    %add3A_71 = arith.addf %dot_general3A_66, %add3A_70 : vector<10000x64xf32>
    %mul3A_72 = arith.constant 5.000000e-01 : f32
    %mul3A_73 = vector.broadcast %mul3A_72 : f32 to vector<10000x64xf32>
    %mul3A_74 = arith.mulf %mul3A_73, %add3A_71 : vector<10000x64xf32>
    %div3A_75 = arith.constant 1.41421354 : f32
    %div3A_76 = vector.broadcast %div3A_75 : f32 to vector<10000x64xf32>
    %div3A_77 = arith.divf %add3A_71, %div3A_76 : vector<10000x64xf32>
    %erf3A_78 = math.erf %div3A_77 : vector<10000x64xf32>
    %add3A_79 = arith.constant 1.000000e+00 : f32
    %add3A_80 = vector.broadcast %add3A_79 : f32 to vector<10000x64xf32>
    %add3A_81 = arith.addf %add3A_80, %erf3A_78 : vector<10000x64xf32>
    %mul3A_82 = arith.mulf %mul3A_74, %add3A_81 : vector<10000x64xf32>
    %swap3A_83 = arith.constant 0 : index
    %swap3A_84 = arith.constant 0 : index
    %swap3A_85 = vector.load %arg11[%swap3A_83, %swap3A_84] : memref<10000x64xf32, #tpu.memory_space<vmem>>, vector<10000x64xf32>
    tpu.vector_store %arg11[%swap3A_83, %swap3A_84], %mul3A_82 {strides = array<i32>} : memref<10000x64xf32, #tpu.memory_space<vmem>>, vector<10000x64xf32>,
    %get3A_86 = arith.constant 0 : index
    %get3A_87 = arith.constant 0 : index
    %get3A_88 = vector.load %arg1[%get3A_86, %get3A_87] : memref<2500x128xf32, #tpu.memory_space<vmem>>, vector<2500x128xf32>
    %reduce_sum3A = vector.shape_cast %get3A_88 : vector<2500x128xf32> to vector<1x2500x128xf32>
    %reduce_sum3A_89 = arith.constant dense<0.000000e+00> : vector<1xf32>
    %reduce_sum3A_90 = vector.multi_reduction <add>, %reduce_sum3A, %reduce_sum3A_89 [1, 2] : vector<1x2500x128xf32> to vector<1xf32>
    %reduce_sum3A_91 = vector.shape_cast %reduce_sum3A_90 : vector<1xf32> to vector<1x1x1xf32>
    %reduce_sum3A_92 = vector.extract %reduce_sum3A_91[0, 0, 0] : f32 from vector<1x1x1xf32>
    %broadcast_in_dim3A = vector.broadcast %reduce_sum3A_92 : f32 to vector<1x1xf32>
    %swap3A_93 = arith.constant 0 : index
    %swap3A_94 = arith.constant 0 : index
    %swap3A_95 = vector.load %arg12[%swap3A_93, %swap3A_94] : memref<1x1xf32, #tpu.memory_space<vmem>>, vector<1x1xf32>
    tpu.vector_store %arg12[%swap3A_93, %swap3A_94], %broadcast_in_dim3A {strides = array<i32>} : memref<1x1xf32, #tpu.memory_space<vmem>>, vector<1x1xf32>,
    return
  }
}

module attributes {stable_mosaic.version = 14 : i64} {
  func.func @_tc2_body(%arg0: memref<10000x64xf32, #tpu.memory_space<vmem>>, %arg1: memref<10000x64xf32, #tpu.memory_space<vmem>>, %arg2: memref<10000x64xf32, #tpu.memory_space<vmem>>, %arg3: memref<1x1xf32, #tpu.memory_space<vmem>>, %arg4: memref<64x64xf32, #tpu.memory_space<vmem>>, %arg5: memref<64x64xf32, #tpu.memory_space<vmem>>, %arg6: memref<1x64xf32, #tpu.memory_space<vmem>>, %arg7: memref<64x64xf32, #tpu.memory_space<vmem>>, %arg8: memref<1x64xf32, #tpu.memory_space<vmem>>, %arg9: memref<64x64xf32, #tpu.memory_space<vmem>>, %arg10: memref<1x64xf32, #tpu.memory_space<vmem>>, %arg11: memref<64x64xf32, #tpu.memory_space<vmem>>, %arg12: memref<1x64xf32, #tpu.memory_space<vmem>>, %arg13: memref<64x16xf32, #tpu.memory_space<vmem>>, %arg14: memref<1x16xf32, #tpu.memory_space<vmem>>, %arg15: memref<10000x16xf32, #tpu.memory_space<vmem>>) attributes {dimension_semantics = [], scalar_prefetch = 0 : i64, scratch_operands = 0 : i64, tpu.core_type = #tpu.core_type<tc>} {
    %get3A = arith.constant 0 : index
    %get3A_0 = arith.constant 0 : index
    %get3A_1 = vector.load %arg0[%get3A, %get3A_0] : memref<10000x64xf32, #tpu.memory_space<vmem>>, vector<10000x64xf32>
    %get3A_2 = arith.constant 0 : index
    %get3A_3 = arith.constant 0 : index
    %get3A_4 = vector.load %arg1[%get3A_2, %get3A_3] : memref<10000x64xf32, #tpu.memory_space<vmem>>, vector<10000x64xf32>
    %get3A_5 = arith.constant 0 : index
    %get3A_6 = arith.constant 0 : index
    %get3A_7 = vector.load %arg2[%get3A_5, %get3A_6] : memref<10000x64xf32, #tpu.memory_space<vmem>>, vector<10000x64xf32>
    %add3A = arith.addf %get3A_4, %get3A_7 : vector<10000x64xf32>
    %get3A_8 = arith.constant 0 : index
    %get3A_9 = arith.constant 0 : index
    %get3A_10 = vector.load %arg3[%get3A_8, %get3A_9] : memref<1x1xf32, #tpu.memory_space<vmem>>, vector<1x1xf32>
    %div3A = arith.constant 1.000000e+00 : f32
    %div3A_11 = vector.broadcast %div3A : f32 to vector<1x1xf32>
    %div3A_12 = arith.divf %div3A_11, %get3A_10 : vector<1x1xf32>
    %mul3A = vector.broadcast %div3A_12 : vector<1x1xf32> to vector<10000x64xf32>
    %mul3A_13 = arith.mulf %add3A, %mul3A : vector<10000x64xf32>
    %get3A_14 = arith.constant 0 : index
    %get3A_15 = arith.constant 0 : index
    %get3A_16 = vector.load %arg4[%get3A_14, %get3A_15] : memref<64x64xf32, #tpu.memory_space<vmem>>, vector<64x64xf32>
    %dot_general3A = arith.constant dense<0.000000e+00> : vector<10000x64xf32>
    %dot_general3A_17 = tpu.matmul %get3A_1, %get3A_16, %dot_general3A {dimension_numbers = #tpu.dot_dimension_numbers<[1], [0], [0], [1], [0, 0, 1, 1], [], []>, transpose_lhs_hint = false} : vector<10000x64xf32>, vector<64x64xf32>, vector<10000x64xf32> -> vector<10000x64xf32>
    %get3A_18 = arith.constant 0 : index
    %get3A_19 = arith.constant 0 : index
    %get3A_20 = vector.load %arg5[%get3A_18, %get3A_19] : memref<64x64xf32, #tpu.memory_space<vmem>>, vector<64x64xf32>
    %dot_general3A_21 = arith.constant dense<0.000000e+00> : vector<10000x64xf32>
    %dot_general3A_22 = tpu.matmul %mul3A_13, %get3A_20, %dot_general3A_21 {dimension_numbers = #tpu.dot_dimension_numbers<[1], [0], [0], [1], [0, 0, 1, 1], [], []>, transpose_lhs_hint = false} : vector<10000x64xf32>, vector<64x64xf32>, vector<10000x64xf32> -> vector<10000x64xf32>
    %add3A_23 = arith.addf %dot_general3A_17, %dot_general3A_22 : vector<10000x64xf32>
    %get3A_24 = arith.constant 0 : index
    %get3A_25 = arith.constant 0 : index
    %get3A_26 = vector.load %arg6[%get3A_24, %get3A_25] : memref<1x64xf32, #tpu.memory_space<vmem>>, vector<1x64xf32>
    %add3A_27 = vector.broadcast %get3A_26 : vector<1x64xf32> to vector<10000x64xf32>
    %add3A_28 = arith.addf %add3A_23, %add3A_27 : vector<10000x64xf32>
    %mul3A_29 = arith.constant 5.000000e-01 : f32
    %mul3A_30 = vector.broadcast %mul3A_29 : f32 to vector<10000x64xf32>
    %mul3A_31 = arith.mulf %mul3A_30, %add3A_28 : vector<10000x64xf32>
    %div3A_32 = arith.constant 1.41421354 : f32
    %div3A_33 = vector.broadcast %div3A_32 : f32 to vector<10000x64xf32>
    %div3A_34 = arith.divf %add3A_28, %div3A_33 : vector<10000x64xf32>
    %erf3A = math.erf %div3A_34 : vector<10000x64xf32>
    %add3A_35 = arith.constant 1.000000e+00 : f32
    %add3A_36 = vector.broadcast %add3A_35 : f32 to vector<10000x64xf32>
    %add3A_37 = arith.addf %add3A_36, %erf3A : vector<10000x64xf32>
    %mul3A_38 = arith.mulf %mul3A_31, %add3A_37 : vector<10000x64xf32>
    %get3A_39 = arith.constant 0 : index
    %get3A_40 = arith.constant 0 : index
    %get3A_41 = vector.load %arg7[%get3A_39, %get3A_40] : memref<64x64xf32, #tpu.memory_space<vmem>>, vector<64x64xf32>
    %dot_general3A_42 = arith.constant dense<0.000000e+00> : vector<10000x64xf32>
    %dot_general3A_43 = tpu.matmul %mul3A_38, %get3A_41, %dot_general3A_42 {dimension_numbers = #tpu.dot_dimension_numbers<[1], [0], [0], [1], [0, 0, 1, 1], [], []>, transpose_lhs_hint = false} : vector<10000x64xf32>, vector<64x64xf32>, vector<10000x64xf32> -> vector<10000x64xf32>
    %get3A_44 = arith.constant 0 : index
    %get3A_45 = arith.constant 0 : index
    %get3A_46 = vector.load %arg8[%get3A_44, %get3A_45] : memref<1x64xf32, #tpu.memory_space<vmem>>, vector<1x64xf32>
    %add3A_47 = vector.broadcast %get3A_46 : vector<1x64xf32> to vector<10000x64xf32>
    %add3A_48 = arith.addf %dot_general3A_43, %add3A_47 : vector<10000x64xf32>
    %mul3A_49 = arith.constant 5.000000e-01 : f32
    %mul3A_50 = vector.broadcast %mul3A_49 : f32 to vector<10000x64xf32>
    %mul3A_51 = arith.mulf %mul3A_50, %add3A_48 : vector<10000x64xf32>
    %div3A_52 = arith.constant 1.41421354 : f32
    %div3A_53 = vector.broadcast %div3A_52 : f32 to vector<10000x64xf32>
    %div3A_54 = arith.divf %add3A_48, %div3A_53 : vector<10000x64xf32>
    %erf3A_55 = math.erf %div3A_54 : vector<10000x64xf32>
    %add3A_56 = arith.constant 1.000000e+00 : f32
    %add3A_57 = vector.broadcast %add3A_56 : f32 to vector<10000x64xf32>
    %add3A_58 = arith.addf %add3A_57, %erf3A_55 : vector<10000x64xf32>
    %mul3A_59 = arith.mulf %mul3A_51, %add3A_58 : vector<10000x64xf32>
    %mul3A_60 = arith.mulf %mul3A_59, %mul3A_59 : vector<10000x64xf32>
    %reduce_sum3A = arith.constant dense<0.000000e+00> : vector<10000xf32>
    %reduce_sum3A_61 = vector.multi_reduction <add>, %mul3A_60, %reduce_sum3A [1] : vector<10000x64xf32> to vector<10000xf32>
    %broadcast_in_dim3A = vector.shape_cast %reduce_sum3A_61 : vector<10000xf32> to vector<10000x1xf32>
    %max3A = arith.constant 9.99999996E-13 : f32
    %max3A_62 = vector.broadcast %max3A : f32 to vector<10000x1xf32>
    %max3A_63 = arith.maximumf %broadcast_in_dim3A, %max3A_62 : vector<10000x1xf32>
    %rsqrt3A = math.rsqrt %max3A_63 : vector<10000x1xf32>
    %mul3A_64 = vector.broadcast %rsqrt3A : vector<10000x1xf32> to vector<10000x64xf32>
    %mul3A_65 = arith.mulf %mul3A_59, %mul3A_64 : vector<10000x64xf32>
    %add3A_66 = arith.addf %mul3A_65, %get3A_1 : vector<10000x64xf32>
    %get3A_67 = arith.constant 0 : index
    %get3A_68 = arith.constant 0 : index
    %get3A_69 = vector.load %arg9[%get3A_67, %get3A_68] : memref<64x64xf32, #tpu.memory_space<vmem>>, vector<64x64xf32>
    %dot_general3A_70 = arith.constant dense<0.000000e+00> : vector<10000x64xf32>
    %dot_general3A_71 = tpu.matmul %add3A_66, %get3A_69, %dot_general3A_70 {dimension_numbers = #tpu.dot_dimension_numbers<[1], [0], [0], [1], [0, 0, 1, 1], [], []>, transpose_lhs_hint = false} : vector<10000x64xf32>, vector<64x64xf32>, vector<10000x64xf32> -> vector<10000x64xf32>
    %get3A_72 = arith.constant 0 : index
    %get3A_73 = arith.constant 0 : index
    %get3A_74 = vector.load %arg10[%get3A_72, %get3A_73] : memref<1x64xf32, #tpu.memory_space<vmem>>, vector<1x64xf32>
    %add3A_75 = vector.broadcast %get3A_74 : vector<1x64xf32> to vector<10000x64xf32>
    %add3A_76 = arith.addf %dot_general3A_71, %add3A_75 : vector<10000x64xf32>
    %mul3A_77 = arith.constant 5.000000e-01 : f32
    %mul3A_78 = vector.broadcast %mul3A_77 : f32 to vector<10000x64xf32>
    %mul3A_79 = arith.mulf %mul3A_78, %add3A_76 : vector<10000x64xf32>
    %div3A_80 = arith.constant 1.41421354 : f32
    %div3A_81 = vector.broadcast %div3A_80 : f32 to vector<10000x64xf32>
    %div3A_82 = arith.divf %add3A_76, %div3A_81 : vector<10000x64xf32>
    %erf3A_83 = math.erf %div3A_82 : vector<10000x64xf32>
    %add3A_84 = arith.constant 1.000000e+00 : f32
    %add3A_85 = vector.broadcast %add3A_84 : f32 to vector<10000x64xf32>
    %add3A_86 = arith.addf %add3A_85, %erf3A_83 : vector<10000x64xf32>
    %mul3A_87 = arith.mulf %mul3A_79, %add3A_86 : vector<10000x64xf32>
    %get3A_88 = arith.constant 0 : index
    %get3A_89 = arith.constant 0 : index
    %get3A_90 = vector.load %arg11[%get3A_88, %get3A_89] : memref<64x64xf32, #tpu.memory_space<vmem>>, vector<64x64xf32>
    %dot_general3A_91 = arith.constant dense<0.000000e+00> : vector<10000x64xf32>
    %dot_general3A_92 = tpu.matmul %mul3A_87, %get3A_90, %dot_general3A_91 {dimension_numbers = #tpu.dot_dimension_numbers<[1], [0], [0], [1], [0, 0, 1, 1], [], []>, transpose_lhs_hint = false} : vector<10000x64xf32>, vector<64x64xf32>, vector<10000x64xf32> -> vector<10000x64xf32>
    %get3A_93 = arith.constant 0 : index
    %get3A_94 = arith.constant 0 : index
    %get3A_95 = vector.load %arg12[%get3A_93, %get3A_94] : memref<1x64xf32, #tpu.memory_space<vmem>>, vector<1x64xf32>
    %add3A_96 = vector.broadcast %get3A_95 : vector<1x64xf32> to vector<10000x64xf32>
    %add3A_97 = arith.addf %dot_general3A_92, %add3A_96 : vector<10000x64xf32>
    %mul3A_98 = arith.constant 5.000000e-01 : f32
    %mul3A_99 = vector.broadcast %mul3A_98 : f32 to vector<10000x64xf32>
    %mul3A_100 = arith.mulf %mul3A_99, %add3A_97 : vector<10000x64xf32>
    %div3A_101 = arith.constant 1.41421354 : f32
    %div3A_102 = vector.broadcast %div3A_101 : f32 to vector<10000x64xf32>
    %div3A_103 = arith.divf %add3A_97, %div3A_102 : vector<10000x64xf32>
    %erf3A_104 = math.erf %div3A_103 : vector<10000x64xf32>
    %add3A_105 = arith.constant 1.000000e+00 : f32
    %add3A_106 = vector.broadcast %add3A_105 : f32 to vector<10000x64xf32>
    %add3A_107 = arith.addf %add3A_106, %erf3A_104 : vector<10000x64xf32>
    %mul3A_108 = arith.mulf %mul3A_100, %add3A_107 : vector<10000x64xf32>
    %get3A_109 = arith.constant 0 : index
    %get3A_110 = arith.constant 0 : index
    %get3A_111 = vector.load %arg13[%get3A_109, %get3A_110] : memref<64x16xf32, #tpu.memory_space<vmem>>, vector<64x16xf32>
    %dot_general3A_112 = arith.constant dense<0.000000e+00> : vector<10000x16xf32>
    %dot_general3A_113 = tpu.matmul %mul3A_108, %get3A_111, %dot_general3A_112 {dimension_numbers = #tpu.dot_dimension_numbers<[1], [0], [0], [1], [0, 0, 1, 1], [], []>, transpose_lhs_hint = false} : vector<10000x64xf32>, vector<64x16xf32>, vector<10000x16xf32> -> vector<10000x16xf32>
    %get3A_114 = arith.constant 0 : index
    %get3A_115 = arith.constant 0 : index
    %get3A_116 = vector.load %arg14[%get3A_114, %get3A_115] : memref<1x16xf32, #tpu.memory_space<vmem>>, vector<1x16xf32>
    %add3A_117 = vector.broadcast %get3A_116 : vector<1x16xf32> to vector<10000x16xf32>
    %add3A_118 = arith.addf %dot_general3A_113, %add3A_117 : vector<10000x16xf32>
    %swap3A = arith.constant 0 : index
    %swap3A_119 = arith.constant 0 : index
    %swap3A_120 = vector.load %arg15[%swap3A, %swap3A_119] : memref<10000x16xf32, #tpu.memory_space<vmem>>, vector<10000x16xf32>
    tpu.vector_store %arg15[%swap3A, %swap3A_119], %add3A_118 {strides = array<i32>} : memref<10000x16xf32, #tpu.memory_space<vmem>>, vector<10000x16xf32>,
    return
  }
}

</mosaic_0001>

<sc_bundles>
// kernel: kernel.6.cloned.1.call-start
scs
__scs_entry_jumppad:
0x0: {  	(pc) =	sbr.rel $0x88, $3  }
0x1: {  	(tag) =	ssettag $0x0;
	lr =	simm.s32 $0x1  }
0x2: {  	[smem:$0x3F8B] =	sst lr;
	_ =	strace $0xD0000000  }
0x3: {  	_ = 	snop  }
0x4: {  	_ = 	snop  }
0x5: {  	_ = 	snop  }
0x6: {  	_ = 	snop  }
0x7: {  	_ = 	snop  }
__scs_overlays_trampoline_lowered:
0x8: {  	[smem:$0x3F9A] =	sst s0  }
0x9: {  	[smem:$0x3F9B] =	sst s1  }
0xa: {  	[smem:$0x3F9C] =	sst s2  }
0xb: {  	[smem:$0x3F9D] =	sst s3  }
0xc: {  	[smem:$0x3F9E] =	sst s4  }
0xd: {  	[smem:$0x3F9F] =	sst s5  }
0xe: {  	[smem:$0x3FA0] =	sst s6  }
0xf: {  	[smem:$0x3FA1] =	sst s7  }
0x10: {  	[smem:$0x3FA2] =	sst s8  }
0x11: {  	[smem:$0x3FA3] =	sst s9;
	s0 =	simm.s32 @!p0 $0x0  }
0x12: {  	s1 =	sld [smem:$0x3F89];
	s0 =	simm.s32 @p0 $0x1  }
0x13: {  	[smem:$0x3FA4] =	sst s0;
	s0 =	simm.s32 @!p1 $0x0  }
0x14: {  	s2 =	sld [smem:$0x3F88];
	s0 =	simm.s32 @p1 $0x1  }
0x15: {  	[smem:$0x3FA5] =	sst s0;
	s0 =	simm.s32 @!p2 $0x0  }
0x16: {  	s3 =	sld [smem:$0x3FDB];
	s0 =	simm.s32 @p2 $0x1  }
0x17: {  	s4 =	simm.s32 $0x1BF5;
	[smem:$0x3FA7] =	sst s0  }
0x18: {  	s0 =	sld [smem:$0x3F8A];
	_ =	swait.ge [sflag:s4], $0x0  }
0x19: {  	s7 =	sld [smem:$0x3F8B]  }
0x1a: {  	s8 =	sadd.s32 $0xFFFFE003, lr  }
0x1b: {  	s9 =	sadd.s32 $0xFFFFFEF7, lr;
	s5 =	simm.s32 $0xFFFFFFFF;
	p2 =	slt.u32 s8, $0xFFFFF086  }
0x1c: {  	p1 =	slt.u32 s9, $0xF7A;
	s5 =	simm.s32 @!p2 $0x0  }
0x1d: {  	s5 =	simm.s32 @p1 $0x1;
	p0 =	seq.s32 s7, s2  }
0x1e: {  	s7 =	smul.u32 @!p0 $0xF7A, s2;
	p2 =	seq.s32 @!p0 s5, $0x0  }
0x1f: {  	s9 =	smul.u32 $0xF7A, s1;
	s8 =	simm.s32 @!p0 $0x1BF5;
	p2 =	por !p2, p0  }
0x20: {  	[sflag:s8] =	ssyncset.s32 @!p0 $0xFFFFF086;
	s6 =	sadd.s32 @!p0 s3, s7;
	s7 =	simm.s32 @!p0 $0x108  }
0x21: {  	s3 =	sadd.s32 s3, s9;
	s6 =	sadd.s32 @!p0 $0x88, s6;
	s7 =	simm.s32 @p2 $0x1082  }
0x22: {  	[simem:s7], [sflag:s8] =	dma.local @!p0 [hbm:s6], $0xF7A  }
0x23: {  	s9 =	sor.u32 $0xD0000000, s2;
	s6 =	simm.s32 $0x108;
	_ =	swait.ge @!p0 [sflag:s8], $0x0  }
0x24: {  	s3 =	sadd.s32 $0x88, s3;
	s6 =	simm.s32 @!p1 $0x1082;
	[sflag:s4] =	ssyncset.s32 $0xFFFFF086  }
0x25: {  	[simem:s6], [sflag:s4] =	dma.local [hbm:s3], $0xF7A  }
0x26: {  	[smem:$0x3F8B] =	sst s1;
	(tag) =	ssettag s2;
	_ =	strace s9  }
0x27: {  	s1 =	sld [smem:$0x3F9B]  }
0x28: {  	s2 =	sld [smem:$0x3F9C]  }
0x29: {  	s4 =	sld [smem:$0x3F9E]  }
0x2a: {  	p0 =	seq.s32 s5, $0x0;
	s5 =	sld [smem:$0x3F9F]  }
0x2b: {  	s6 =	sld [smem:$0x3FA0]  }
0x2c: {  	s7 =	sld [smem:$0x3FA1]  }
0x2d: {  	s3 =	simm.s32 $0x108;
	s8 =	sld [smem:$0x3FA2]  }
0x2e: {  	s3 =	simm.s32 @!p0 $0x1082;
	s9 =	sld [smem:$0x3FA3]  }
0x2f: {  	lr =	sadd.s32 s0, s3;
	s0 =	sld [smem:$0x3F9A]  }
0x30: {  	s3 =	sld [smem:$0x3F9D]  }
0x31: {  	[smem:$0x3FA6] =	sst s10  }
0x32: {  	s10 =	sld [smem:$0x3FA4];
	_ =	sdelay $0x3  }
0x33: {  	p0 =	seq.s32 s10, $0x1;
	s10 =	sld [smem:$0x3FA6];
	_ =	sdelay $0x3  }
0x34: {  	[smem:$0x3FA6] =	sst s10  }
0x35: {  	s10 =	sld [smem:$0x3FA5];
	_ =	sdelay $0x3  }
0x36: {  	p1 =	seq.s32 s10, $0x1;
	s10 =	sld [smem:$0x3FA6];
	_ =	sdelay $0x3  }
0x37: {  	[smem:$0x3FA6] =	sst s10  }
0x38: {  	s10 =	sld [smem:$0x3FA7]  }
0x39: {  	_ = 	snop;
	(pc) =	sbr.ind lr, $3  }
0x3a: {  	_ = 	snop  }
0x3b: {  	_ = 	snop  }
0x3c: {  	p2 =	seq.s32 s10, $0x1;
	s10 =	sld [smem:$0x3FA6]  }
0x3d: {  	_ =	shalt  }
0x3e: {  	_ =	shalt  }
0x3f: {  	_ =	shalt  }
0x40: {  	_ =	shalt  }
0x41: {  	_ =	shalt  }
0x42: {  	_ =	shalt  }
0x43: {  	_ =	shalt  }
0x44: {  	_ =	shalt  }
0x45: {  	_ =	shalt  }
0x46: {  	_ =	shalt  }
0x47: {  	_ =	shalt  }
0x48: {  	_ =	shalt  }
0x49: {  	_ =	shalt  }
0x4a: {  	_ =	shalt  }
0x4b: {  	_ =	shalt  }
0x4c: {  	_ =	shalt  }
0x4d: {  	_ =	shalt  }
0x4e: {  	_ =	shalt  }
0x4f: {  	_ =	shalt  }
0x50: {  	_ =	shalt  }
0x51: {  	_ =	shalt  }
0x52: {  	_ =	shalt  }
0x53: {  	_ =	shalt  }
0x54: {  	_ =	shalt  }
0x55: {  	_ =	shalt  }
0x56: {  	_ =	shalt  }
0x57: {  	_ =	shalt  }
0x58: {  	_ =	shalt  }
0x59: {  	_ =	shalt  }
0x5a: {  	_ =	shalt  }
0x5b: {  	_ =	shalt  }
0x5c: {  	_ =	shalt  }
0x5d: {  	_ =	shalt  }
0x5e: {  	_ =	shalt  }
0x5f: {  	_ =	shalt  }
0x60: {  	_ =	shalt  }
0x61: {  	_ =	shalt  }
0x62: {  	_ =	shalt  }
0x63: {  	_ =	shalt  }
0x64: {  	_ =	shalt  }
0x65: {  	_ =	shalt  }
0x66: {  	_ =	shalt  }
0x67: {  	_ =	shalt  }
0x68: {  	_ =	shalt  }
0x69: {  	_ =	shalt  }
0x6a: {  	_ =	shalt  }
0x6b: {  	_ =	shalt  }
0x6c: {  	_ =	shalt  }
0x6d: {  	_ =	shalt  }
0x6e: {  	_ =	shalt  }
0x6f: {  	_ =	shalt  }
0x70: {  	_ =	shalt  }
0x71: {  	_ =	shalt  }
0x72: {  	_ =	shalt  }
0x73: {  	_ =	shalt  }
0x74: {  	_ =	shalt  }
0x75: {  	_ =	shalt  }
0x76: {  	_ =	shalt  }
0x77: {  	_ =	shalt  }
0x78: {  	_ =	shalt  }
0x79: {  	_ =	shalt  }
0x7a: {  	_ =	shalt  }
0x7b: {  	_ =	shalt  }
0x7c: {  	_ =	shalt  }
0x7d: {  	_ =	shalt  }
0x7e: {  	_ =	shalt  }
0x7f: {  	_ =	shalt  }
0x80: {  	_ =	shalt  }
0x81: {  	_ =	shalt  }
0x82: {  	_ =	shalt  }
0x83: {  	_ =	shalt  }
0x84: {  	_ =	shalt  }
0x85: {  	_ =	shalt  }
0x86: {  	_ =	shalt  }
0x87: {  	_ =	shalt  }
.Lfunc_end0:
.L_simem_size_0:
called_computation_lowered:
.L_overlay_start_0:
0x88: {  	s2 =	sld [smem:$0x3FD9]  }
0x89: {  	s3 =	sld [smem:$0x3FFE];
	_ =	sdelay $0x1  }
0x8a: {  	s1 =	srdreg.scid  }
0x8b: {  	s0 =	sand.u32 $0x1, s1  }
0x8c: {  	s16 =	sshll.u32 s0, $0xA;
	s2 =	sadd.s32 s3, s2  }
0x8d: {  	s2 =	sadd.s32 s2, s16  }
0x8e: {  	[smem:$0x3FB2] =	sst s2  }
0x8f: {  	_ = 	snop  }
0x90: {  	(tm) =	ssettm $0x1  }
0x91: {  	s17 =	sld [smem:$0x3FFB];
	_ =	sdelay $0x3  }
0x92: {  	_ =	strace s17  }
0x93: {  	s2 =	sld [smem:$0x3FFC];
	_ =	sdelay $0x3  }
0x94: {  	_ =	strace s2  }
0x95: {  	s2 =	sld [smem:$0x3FFD];
	_ =	sdelay $0x3  }
0x96: {  	_ =	strace s2  }
0x97: {  	_ =	strace $0x8FFFFFFF  }
0x98: {  	s18 =	sld [smem:$0x3FDB];
	_ =	sdelay $0x1  }
0x99: {  	s19 =	simm.s32 $_scs_section_size  }
0x9a: {  	s4 =	simm.s32 $_size__tile_overlayer_lowered;
	s5 =	simm.s32 $_tile_overlayer_lowered  }
0x9b: {  	s22 =	simm.s32 $0x1BFF;
	s21 =	sshll.u32 s5, $0x1;
	s2 =	sadd.s32 s19, s18  }
0x9c: {  	s6 =	simm.s32 $0x0;
	s20 =	sshll.u32 s4, $0x1;
	s4 =	sadd.s32 s21, s2  }
0x9d: {  	[timem:s6], [sflag:s22] =	dma.local [hbm:s4], s20  }
0x9e: {  	_ =	swait.ge [sflag:s22], s20  }
0x9f: {  	s3 =	ssub.s32 $0x0, s20;
	[sflag:s22] =	ssyncset.done $0x0  }
0xa0: {  	[sflag:s22] =	ssyncadd.s32 s3;
	_ =	sdelay $0x1  }
0xa1: {  	s23 =	simm.s32 $0x1B8B  }
0xa2: {  	_ =	swait.ge [sflag:s23], $0x1  }
0xa3: {  	[sflag:s23] =	ssyncset.done $0x0  }
0xa4: {  	s25 =	simm.s32 $0x1B8E;
	s24 =	sld [smem:$0x3FFE];
	[sflag:s23] =	ssyncadd.s32 $0xFFFFFFFF  }
0xa5: {  	s26 =	simm.s32 $execute0_lowered;
	[smem:$0x3FD2] =	sst s25  }
0xa6: {  	s4 =	sshll.u32 s26, $0x1;
	_ =	strace $0x80000046;
	[dreg:$0x1] =	wrdreg $0xFFFFFFFF  }
0xa7: {  	s28 =	simm.s32 $_size_execute0_lowered;
	s2 =	sadd.s32 s2, s4;
	[dreg:$0x0] =	wrdreg $0x0  }
0xa8: {  	s4 =	sshll.u32 s28, $0x1;
	[dreg:$0x2] =	wrdreg s2  }
0xa9: {  	[dreg:$0x3] =	wrdreg s4  }
0xaa: {  	[dreg:$0x4] =	wrdreg $0xC0  }
0xab: {  	_ =	task [dreg:s6], $0x5FFFF  }
0xac: {  	[dreg:$0x1] =	wrdreg $0xFFFFFFFF  }
0xad: {  	[dreg:$0x0] =	wrdreg $0x60  }
0xae: {  	[dreg:$0x2] =	wrdreg s24  }
0xaf: {  	[dreg:$0x3] =	wrdreg $0x10C000  }
0xb0: {  	[dreg:$0x4] =	wrdreg $0x9  }
0xb1: {  	_ =	task.clear_ibuf [dreg:s6], $0x5FFFF;
	_ =	strace $0x90000046  }
0xb2: {  	s29 =	simm.s32 $0x9;
	_ =	strace $0x80000048  }
0xb3: {  	_ =	swait.ge [sflag:s29], $0x1  }
0xb4: {  	[sflag:s29] =	ssyncadd.s32 $0xFFFFFFFF  }
0xb5: {  	_ =	strace $0x90000048  }
0xb6: {  	_ =	sfence  }
0xb7: {  	s30 =	sld [smem:$0x0];
	_ =	sdelay $0x2  }
0xb8: {  	s31 =	sshll.u32 s1, $0xD;
	s1 =	sshrl.u32 s1, $0x2  }
0xb9: {  	s3 =	sand.u32 $0x4000, s31;
	s1 =	sadd.s32 s1, s30  }
0xba: {  	s0 =	sor.u32 s3, s0;
	s1 =	sshll.u32 s1, $0x11  }
0xbb: {  	s0 =	sor.u32 s1, s0  }
0xbc: {  	s0 =	sadd.s32 $0x8F2B, s0  }
0xbd: {  	[sflag:s0] =	ssyncadd.remote.s32 $0x1  }
0xbe: {  	_ =	sfence.sel $0xFFFF  }
0xbf: {  	[dreg:$0x0] =	wrdreg $0xFFFFFFFF;
	(pc) =	sbr.abs _section_cstart, $3  }
0xc0: {  	[dreg:$0x1] =	wrdreg $0xFFFFFFFF  }
0xc1: {  	_ =	task.clear_ibuf [dreg:s6], $0x2FFFF;
	_ =	strace $0x9FFFFFFF  }
0xc2: {  	(tm) =	ssettm $0x7FFFFFFF  }
0xc3: {  	_ =	shalt  }
tec
execute0_lowered:
.L_overlay_start_1:
0x0: {  	(tag) =	ssettag $0x1  }
0x1: {  	s0 =	rddreg [dreg:$0x0]  }
0x2: {  	s1 =	rddreg [dreg:$0x1];
	s15 =	simm.s32 $0x0  }
0x3: {  	s12 =	stileid.u32;
	s3 =	srdreg.scid;
	s28 =	simm.s32 $0x2C00  }
0x4: {  	s30 =	simm.s32 $0x4C00;
	s18 =	simm.s32 $0xEC00;
	s19 =	simm.s32 $0x1  }
0x5: {  	s29 =	simm.s32 $0x700;
	s31 =	simm.s32 $0x780;
	[smem:$0x7FF] =	sst s15  }
0x6: {  	s4 =	sadd.s32 $0xD000, s0;
	s2 =	smul.u32 $0x9E00, s12;
	s5 =	sadd.s32 $0x3000, s0  }
0x7: {  	s6 =	sadd.s32 $0x17000, s0;
	s7 =	sand.u32 $0x1, s3;
	s8 =	sadd.s32 $0x21000, s0  }
0x8: {  	s13 =	sadd.s32 $0x5BE00, s0;
	s14 =	sadd.s32 $0x48400, s0;
	p0 =	seq.s32 s12, $0xF  }
0x9: {  	p3 =	sne.s32 s12, $0xF;
	_ =	strace $0x80000047;
	[dreg:$0x4] =	wrdreg s13  }
0xa: {  	s16 =	sadd.s32 $0x94200, s1;
	s9 =	ssub.s32 $0x2, s7;
	[dreg:$0x5] =	wrdreg s14  }
0xb: {  	p4 =	seq.s32 s7, $0x0;
	p1 =	seq.s32 s7, $0x1;
	[dreg:$0x6] =	wrdreg s16  }
0xc: {  	s3 =	sshrl.u32 @p0 s16, $0x3;
	s16 =	simm.s32 $0xCC00;
	s22 =	sshrl.u32 s2, $0x3  }
0xd: {  	s11 =	sshrl.u32 s9, $0x1;
	s2 =	sadd.s32 s2, s1;
	p2 =	por !p4, !p3  }
0xe: {  	p4 =	por !p4, !p0;
	p5 =	por !p3, !p1;
	[dreg:$0xd] =	wrdreg s3  }
0xf: {  	s3 =	simm.s32 $0x680;
	s10 =	sadd.s32 s22, s0;
	s9 =	ssub.s32 s9, s11  }
0x10: {  	s11 =	sshll.u32 s12, $0x1;
	s0 =	sadd.s32 $0x47240, s0;
	p2 =	por !p2, !p2  }
0x11: {  	s24 =	sadd.s32 s13, s22;
	p3 =	por !p4, !p4;
	[dreg:$0x8] =	wrdreg s2  }
0x12: {  	p6 =	por !p5, !p5;
	s25 =	sadd.s32 s14, s22;
	[dreg:$0x7] =	wrdreg s0  }
0x13: {  	s22 =	simm.s32 $0x400;
	s13 =	simm.s32 $0xAC00;
	[dreg:$0xa] =	wrdreg s24  }
0x14: {  	s14 =	simm.s32 $0x600;
	s23 =	sadd.s32 $0x34A00, s10;
	[dreg:$0xb] =	wrdreg s25  }
0x15: {  	s26 =	smax.u32 s9, $0x1;
	s0 =	sshll.u32 @!p0 s12, $0x6;
	s24 =	simm.s32 $0x2  }
.Ltmp0:
0x16: {  	s25 =	simm.s32 $0x80;
	p4 =	por !p6, p3;
	(pc) =	sbr.rel .LBB2_1-.Ltmp0, $4  }
0x17: {  	s12 =	simm.s32 $0x8C00;
	s9 =	simm.s32 $0x3;
	[dreg:$0x9] =	wrdreg s23  }
0x18: {  	[dreg:$0xc] =	wrdreg s26;
	s0 =	sor.u32 @!p0 $0x1C04, s0;
	s23 =	simm.s32 $0x800  }
0x19: {  	v0 =	vimm.s32 $0x0;
	vm0 =	vcmask $0x300;
	s26 =	simm.s32 $0xC00;
	[dreg:$0xe] =	wrdreg s0;
	s0 =	sshrl.u32 @!p0 s2, $0x3  }
0x1a: {  	v0 =	vsel vm0, $0x3, v0;
	s2 =	simm.s32 $0x580;
	[dreg:$0xf] =	wrdreg s0;
	s0 =	simm.s32 $0x6C00  }
.LBB2_7:
0x1b: {  	s15 =	sadd.s32 $0x1, s20;
	s10 =	rddreg [dreg:$0xc]  }
0x1c: {  	p5 =	sne.s32 s15, s10  }
.Ltmp1:
0x1d: {  	_ = 	snop;
	(pc) =	sbr.rel @!p5 .LBB2_8-.Ltmp1, $1  }
0x1e: {  	_ =	sdelay $0x3  }
.LBB2_1:
0x1f: {  	[dreg:$0x3] =	wrdreg s15  }
0x20: {  	s15 =	rddreg [dreg:$0x7]  }
0x21: {  	s10 =	simm.s32 @p0 $0x1FC4;
	s17 =	rddreg [dreg:$0xd]  }
0x22: {  	[spmem:s17], [sflag:s10] =	dma.local @p0 [hbm:s15], $0x1040  }
0x23: {  	s10 =	simm.s32 @p0 $0x4  }
0x24: {  	_ =	swait.ge @p0 [sflag:s10], $0x1040  }
0x25: {  	s15 =	rddreg [dreg:$0xe]  }
0x26: {  	[sflag:s10] =	ssyncset.done @p0 $0x0;
	s17 =	rddreg [dreg:$0xf]  }
0x27: {  	[sflag:s10] =	ssyncadd.s32 @p0 $0xFFFFEFC0;
	s10 =	rddreg [dreg:$0x9]  }
0x28: {  	[spmem:s17], [sflag:s15] =	dma.local @!p0 [hbm:s10], $0x13C0  }
0x29: {  	s10 =	simm.s32 @!p0 $0x4  }
0x2a: {  	_ =	swait.ge @!p0 [sflag:s10], $0x13C0  }
0x2b: {  	[sflag:s10] =	ssyncset.done @!p0 $0x0  }
0x2c: {  	[sflag:s10] =	ssyncadd.s32 @!p0 $0xFFFFEC40  }
0x2d: {  	s10 =	simm.s32 $0x0;
	[bflag:$0x0] =	sbarrier.arrive $0xFFFF  }
.LBB2_2:
0x2e: {  	s15 =	sshll.u32 s10, $0x5  }
0x2f: {  	s15 =	sor.u32 s15, s11  }
0x30: {  	s15 =	sor.u32 s7, s15  }
0x31: {  	s15 =	sshll.u32 s15, $0x7  }
0x32: {  	s20 =	simm.s32 $0x0;
	s17 =	sadd.s32 s4, s15  }
0x33: {  	[tilespmem:s20], [sflag:$0x2] =	stream.linear.gather [hbm4b:s17+s20], $0x400, $0x38;
	[tilespmem:$0x1A840] =	vst v63  }
0x34: {  	s21 =	sadd.s32 s5, s15  }
0x35: {  	[tilespmem:s22], [sflag:$0x2] =	stream.linear.gather [hbm4b:s21+s20], $0x400, $0x38;
	[tilespmem:$0x1A840] =	vst v63  }
0x36: {  	s15 =	sadd.s32 s6, s15  }
0x37: {  	[tilespmem:s23], [sflag:$0x2] =	stream.linear.gather [hbm4b:s15+s20], $0x400, $0x38;
	[tilespmem:$0x1A840] =	vst v63  }
0x38: {  	_ =	swait.ge [sflag:s24], $0x400  }
0x39: {  	[sflag:s24] =	ssyncset.done $0x0  }
0x3a: {  	[sflag:s24] =	ssyncadd.s32 $0xFFFFFC00  }
0x3b: {  	_ =	swait.ge [sflag:s24], $0x400  }
0x3c: {  	[sflag:s24] =	ssyncset.done $0x0  }
0x3d: {  	[sflag:s24] =	ssyncadd.s32 $0xFFFFFC00  }
0x3e: {  	_ =	swait.ge [sflag:s24], $0x400  }
0x3f: {  	[sflag:s24] =	ssyncset.done $0x0  }
0x40: {  	[sflag:s24] =	ssyncadd.s32 $0xFFFFFC00  }
0x41: {  	[tilespmem:s26], [sflag:$0x1] =	stream.indirect.gather [hbm4b:s8+s25], $0x40, s20, s25, $0xb8;
	[tilespmem:$0x1A840] =	vst v63  }
0x42: {  	_ = 	snop  }
0x43: {  	[tilespmem:s28], [sflag:$0x1] =	stream.indirect.gather [hbm4b:s8+s25], $0x40, s25, s25, $0xb8;
	[tilespmem:$0x1A840] =	vst v63  }
0x44: {  	s21 =	simm.s32 $0x100  }
0x45: {  	[tilespmem:s30], [sflag:$0x1] =	stream.indirect.gather [hbm4b:s8+s25], $0x40, s21, s25, $0xb8;
	[tilespmem:$0x1A840] =	vst v63  }
0x46: {  	s17 =	simm.s32 $0x180  }
0x47: {  	[tilespmem:s0], [sflag:$0x1] =	stream.indirect.gather [hbm4b:s8+s25], $0x40, s17, s25, $0xb8;
	[tilespmem:$0x1A840] =	vst v63  }
0x48: {  	s21 =	simm.s32 $0x200  }
0x49: {  	[tilespmem:s12], [sflag:$0x1] =	stream.indirect.gather [hbm4b:s8+s25], $0x40, s21, s25, $0xb8;
	[tilespmem:$0x1A840] =	vst v63  }
0x4a: {  	s17 =	simm.s32 $0x280  }
0x4b: {  	[tilespmem:s13], [sflag:$0x1] =	stream.indirect.gather [hbm4b:s8+s25], $0x40, s17, s25, $0xb8;
	[tilespmem:$0x1A840] =	vst v63  }
0x4c: {  	s21 =	simm.s32 $0x300  }
0x4d: {  	[tilespmem:s16], [sflag:$0x1] =	stream.indirect.gather [hbm4b:s8+s25], $0x40, s21, s25, $0xb8;
	[tilespmem:$0x1A840] =	vst v63  }
0x4e: {  	s17 =	simm.s32 $0x380  }
0x4f: {  	[tilespmem:s18], [sflag:$0x1] =	stream.indirect.gather [hbm4b:s8+s25], $0x40, s17, s25, $0xb8;
	[tilespmem:$0x1A840] =	vst v63  }
0x50: {  	_ =	swait.ge [sflag:s19], $0x2000  }
0x51: {  	[sflag:s19] =	ssyncset.done $0x0  }
0x52: {  	[sflag:s19] =	ssyncadd.s32 $0xFFFFE000  }
0x53: {  	_ =	swait.ge [sflag:s19], $0x2000  }
0x54: {  	[sflag:s19] =	ssyncset.done $0x0  }
0x55: {  	[sflag:s19] =	ssyncadd.s32 $0xFFFFE000  }
0x56: {  	_ =	swait.ge [sflag:s19], $0x2000  }
0x57: {  	[sflag:s19] =	ssyncset.done $0x0  }
0x58: {  	[sflag:s19] =	ssyncadd.s32 $0xFFFFE000  }
0x59: {  	_ =	swait.ge [sflag:s19], $0x2000  }
0x5a: {  	[sflag:s19] =	ssyncset.done $0x0  }
0x5b: {  	v1 =	vmov s20;
	[sflag:s19] =	ssyncadd.s32 $0xFFFFE000  }
0x5c: {  	v1 =	vshrl.u32 v1, $0x3;
	s20 =	simm.s32 $0x3;
	_ =	swait.ge [sflag:s19], $0x2000  }
0x5d: {  	v1 =	vshll.u32 v1, v0;
	v4 =	vmov s20;
	s20 =	simm.s32 $0x5;
	[sflag:s19] =	ssyncset.done $0x0  }
0x5e: {  	v1 =	vbroadcast v1, $0x0;
	v6 =	vmov s20;
	v4 =	vshrl.u32 v4, $0x3;
	s21 =	simm.s32 $0x1;
	[sflag:s19] =	ssyncadd.s32 $0xFFFFE000  }
0x5f: {  	s20 =	simm.s32 $0x7;
	v6 =	vshrl.u32 v6, $0x3;
	v4 =	vshll.u32 v4, v0;
	v2 =	vmov s21;
	s17 =	simm.s32 $0x2;
	_ =	swait.ge [sflag:s19], $0x2000  }
0x60: {  	v8 =	vmov s20;
	v2 =	vshrl.u32 v2, $0x3;
	v3 =	vmov s17;
	[sflag:s19] =	ssyncset.done $0x0  }
0x61: {  	v6 =	vshll.u32 v6, v0;
	s21 =	simm.s32 $0x4;
	v2 =	vshll.u32 v2, v0;
	v3 =	vshrl.u32 v3, $0x3;
	[sflag:s19] =	ssyncadd.s32 $0xFFFFE000  }
0x62: {  	v5 =	vmov s21;
	v2 =	vadd.s32 $0x1, v2;
	v3 =	vshll.u32 v3, v0;
	_ =	swait.ge [sflag:s19], $0x2000  }
0x63: {  	v5 =	vshrl.u32 v5, $0x3;
	v2 =	vbroadcast v2, $0x0;
	v3 =	vadd.s32 $0x2, v3;
	[sflag:s19] =	ssyncset.done $0x0  }
0x64: {  	v4 =	vadd.s32 $0x3, v4;
	s21 =	simm.s32 $0x6;
	v5 =	vshll.u32 v5, v0;
	v3 =	vbroadcast v3, $0x0;
	[sflag:s19] =	ssyncadd.s32 $0xFFFFE000  }
0x65: {  	v4 =	vbroadcast v4, $0x0;
	v7 =	vmov s21;
	v5 =	vadd.s32 $0x4, v5;
	_ =	swait.ge [sflag:s19], $0x2000  }
0x66: {  	v6 =	vadd.s32 $0x5, v6;
	v7 =	vshrl.u32 v7, $0x3;
	v5 =	vbroadcast v5, $0x0;
	[sflag:s19] =	ssyncset.done $0x0  }
0x67: {  	v8 =	vshrl.u32 v8, $0x3;
	v6 =	vbroadcast v6, $0x0;
	v7 =	vshll.u32 v7, v0;
	[sflag:s19] =	ssyncadd.s32 $0xFFFFE000  }
0x68: {  	v8 =	vshll.u32 v8, v0;
	v7 =	vadd.s32 $0x6, v7;
	v9 =	vld.idx.msk [tilespmem:v1+s23+$0x0], $0xffff  }
0x69: {  	v1 =	vbroadcast v7, $0x0;
	v7 =	vadd.s32 $0x7, v8;
	v8 =	vld.idx.msk [tilespmem:v2+s23+$0x0], $0xffff  }
0x6a: {  	v10 =	vld.idx.msk [tilespmem:v3+s23+$0x0], $0xffff  }
0x6b: {  	v4 =	vld.idx.msk [tilespmem:v4+s23+$0x0], $0xffff;
	v7 =	vbroadcast v7, $0x0  }
0x6c: {  	v11 =	vld.idx.msk [tilespmem:v5+s23+$0x0], $0xffff  }
0x6d: {  	s15 =	simm.s32 $0xD00;
	v3 =	vld.idx.msk [tilespmem:v6+s23+$0x0], $0xffff  }
0x6e: {  	v5 =	vld [tilespmem:s15+$0xF0]  }
0x6f: {  	v6 =	vld [tilespmem:s15+$0xFFFFFF00]  }
0x70: {  	v2 =	vld.idx.msk [tilespmem:v1+s23+$0x0], $0xffff  }
0x71: {  	v1 =	vld.idx.msk [tilespmem:v7+s23+$0x0], $0xffff  }
0x72: {  	v7 =	vld [tilespmem:s15+$0xFFFFFF10]  }
0x73: {  	v12 =	vld [tilespmem:s15+$0xFFFFFF20]  }
0x74: {  	v13 =	vld [tilespmem:s15+$0xFFFFFF30]  }
0x75: {  	v14 =	vld [tilespmem:s15+$0xFFFFFF40];
	v6 =	vmul.f32 v6, v9  }
0x76: {  	v15 =	vld [tilespmem:s15+$0xFFFFFF50];
	v5 =	vmul.f32 v5, v1  }
0x77: {  	[tilespmem:s15+$0xFFFFFF00] =	vst v6;
	v6 =	vld [tilespmem:s15+$0xFFFFFF70];
	v7 =	vmul.f32 v7, v9  }
0x78: {  	v16 =	vld [tilespmem:s15+$0xFFFFFF60];
	[tilespmem:s15+$0xF0] =	vst v5;
	v5 =	vmul.f32 v12, v9  }
0x79: {  	[tilespmem:s15+$0xFFFFFF10] =	vst v7;
	v7 =	vmul.f32 v13, v9;
	v12 =	vld [tilespmem:s15+$0xFFFFFF90]  }
0x7a: {  	v9 =	vld [tilespmem:s15+$0xFFFFFF80];
	[tilespmem:s15+$0xFFFFFF20] =	vst v5;
	v5 =	vmul.f32 v14, v8  }
0x7b: {  	v13 =	vld [tilespmem:s15+$0xFFFFFFA0];
	[tilespmem:s15+$0xFFFFFF30] =	vst v7;
	v7 =	vmul.f32 v15, v8  }
0x7c: {  	v6 =	vmul.f32 v6, v8;
	v14 =	vld [tilespmem:s15+$0xFFFFFFB0];
	[tilespmem:s15+$0xFFFFFF40] =	vst v5  }
0x7d: {  	v5 =	vmul.f32 v16, v8;
	[tilespmem:s15+$0xFFFFFF50] =	vst v7;
	v7 =	vld [tilespmem:s15+$0xFFFFFFC0]  }
0x7e: {  	s21 =	simm.s32 $0x8;
	[tilespmem:s15+$0xFFFFFF70] =	vst v6;
	v6 =	vmul.f32 v12, v10;
	v12 =	vld [tilespmem:s15+$0xFFFFFFE0]  }
0x7f: {  	s20 =	simm.s32 $0x9;
	v15 =	vmov s21;
	s21 =	simm.s32 $0xA;
	[tilespmem:s15+$0xFFFFFF60] =	vst v5;
	v5 =	vmul.f32 v9, v10;
	v9 =	vld [tilespmem:s15+$0xFFFFFFD0]  }
0x80: {  	v8 =	vshrl.u32 v15, $0x3;
	v15 =	vmov s20;
	v16 =	vmov s21;
	s20 =	simm.s32 $0xB;
	s21 =	simm.s32 $0xC  }
0x81: {  	v17 =	vmov s20;
	v18 =	vmov s21;
	s20 =	simm.s32 $0xD;
	[tilespmem:s15+$0xFFFFFF80] =	vst v5;
	v5 =	vmul.f32 v13, v10;
	v13 =	vld [tilespmem:s15+$0xFFFFFFF0]  }
0x82: {  	s21 =	simm.s32 $0xE;
	v8 =	vshll.u32 v8, v0;
	v19 =	vmov s20;
	[tilespmem:s15+$0xFFFFFF90] =	vst v6;
	v6 =	vmul.f32 v14, v10;
	v10 =	vld [tilespmem:s15+$0x0]  }
0x83: {  	v20 =	vmov s21;
	v14 =	vshrl.u32 v15, $0x3;
	[tilespmem:s15+$0xFFFFFFA0] =	vst v5;
	v5 =	vmul.f32 v7, v4;
	v7 =	vld [tilespmem:s15+$0x10]  }
0x84: {  	v15 =	vshrl.u32 v16, $0x3;
	[tilespmem:s15+$0xFFFFFFB0] =	vst v6;
	v12 =	vmul.f32 v12, v4;
	v6 =	vmul.f32 v9, v4;
	v9 =	vld [tilespmem:s15+$0x20]  }
0x85: {  	v16 =	vshrl.u32 v17, $0x3;
	v17 =	vshrl.u32 v18, $0x3;
	v18 =	vshrl.u32 v19, $0x3;
	v19 =	vld [tilespmem:s15+$0x30];
	[tilespmem:s15+$0xFFFFFFC0] =	vst v5  }
0x86: {  	v14 =	vshll.u32 v14, v0;
	v15 =	vshll.u32 v15, v0;
	[tilespmem:s15+$0xFFFFFFE0] =	vst v12;
	v4 =	vmul.f32 v13, v4;
	v13 =	vld [tilespmem:s15+$0x40]  }
0x87: {  	v17 =	vshll.u32 v17, v0;
	v18 =	vshll.u32 v18, v0;
	[tilespmem:s15+$0xFFFFFFD0] =	vst v6;
	v6 =	vmul.f32 v10, v11;
	v10 =	vld [tilespmem:s15+$0x50]  }
0x88: {  	v63 =	vld [tilespmem:s15+$0x60];
	v5 =	vbroadcast v8, $0x0;
	v8 =	vshrl.u32 v20, $0x3;
	[tilespmem:s15+$0xFFFFFFF0] =	vst v4;
	v4 =	vmul.f32 v7, v11  }
0x89: {  	v12 =	vshll.u32 v16, v0;
	v21 =	vshll.u32 v8, v0;
	[tilespmem:s15+$0x0] =	vst v6;
	v6 =	vld [tilespmem:s15+$0x70];
	v7 =	vmul.f32 v9, v11  }
0x8a: {  	v8 =	vadd.s32 $0x1, v14;
	v14 =	vadd.s32 $0x2, v15;
	v11 =	vmul.f32 v19, v11;
	[tilespmem:s15+$0x10] =	vst v4;
	v4 =	vld [tilespmem:s15+$0x80]  }
0x8b: {  	v16 =	vadd.s32 $0x3, v12;
	v12 =	vadd.s32 $0x4, v17;
	[tilespmem:s15+$0x20] =	vst v7;
	v17 =	vmul.f32 v13, v3;
	v7 =	vld [tilespmem:s15+$0x90]  }
0x8c: {  	v9 =	vbroadcast v8, $0x0;
	v8 =	vld [tilespmem:s15+$0xA0];
	v13 =	vadd.s32 $0x5, v18;
	[tilespmem:s15+$0x30] =	vst v11;
	v15 =	vmul.f32 v10, v3  }
0x8d: {  	s17 =	simm.s32 $0x10;
	s20 =	simm.s32 $0xF;
	v11 =	vbroadcast v14, $0x0;
	v14 =	vadd.s32 $0x6, v21;
	v10 =	vld [tilespmem:s15+$0xB0];
	[tilespmem:s15+$0x40] =	vst v17;
	v17 =	vmul.f32 v63, v3  }
.LBB2_3:
0x8e: {  	p5 =	slt.u32 s17, $0x3F8;
	v16 =	vbroadcast v16, $0x0;
	v18 =	vmov s20;
	[tilespmem:s15+$0x50] =	vst v15;
	v3 =	vmul.f32 v6, v3;
	v6 =	vld [tilespmem:s15+$0xC0]  }
0x8f: {  	v12 =	vbroadcast v12, $0x0;
	v15 =	vshrl.u32 v18, $0x3;
	[tilespmem:s15+$0x60] =	vst v17;
	v4 =	vmul.f32 v4, v2;
	v17 =	vld [tilespmem:s15+$0xD0]  }
0x90: {  	v13 =	vbroadcast v13, $0x0;
	v15 =	vshll.u32 v15, v0;
	[tilespmem:s15+$0x70] =	vst v3;
	v3 =	vmul.f32 v7, v2;
	v7 =	vld [tilespmem:s15+$0xE0]  }
0x91: {  	v14 =	vbroadcast v14, $0x0;
	v5 =	vld.idx.msk [tilespmem:v5+s23+$0x0], $0xffff;
	v15 =	vadd.s32 $0x7, v15;
	[tilespmem:s15+$0x80] =	vst v4;
	v4 =	vmul.f32 v8, v2  }
0x92: {  	v8 =	vld.idx.msk [tilespmem:v9+s23+$0x0], $0xffff;
	v9 =	vbroadcast v15, $0x0;
	[tilespmem:s15+$0x90] =	vst v3;
	v2 =	vmul.f32 v10, v2  }
0x93: {  	v10 =	vld.idx.msk [tilespmem:v11+s23+$0x0], $0xffff;
	[tilespmem:s15+$0xA0] =	vst v4;
	v3 =	vmul.f32 v6, v1  }
0x94: {  	v6 =	vld.idx.msk [tilespmem:v16+s23+$0x0], $0xffff;
	[tilespmem:s15+$0xB0] =	vst v2;
	v2 =	vmul.f32 v17, v1  }
0x95: {  	v4 =	vld.idx.msk [tilespmem:v12+s23+$0x0], $0xffff;
	[tilespmem:s15+$0xC0] =	vst v3;
	v1 =	vmul.f32 v7, v1  }
0x96: {  	v3 =	vld.idx.msk [tilespmem:v13+s23+$0x0], $0xffff;
	[tilespmem:s15+$0xD0] =	vst v2  }
0x97: {  	v2 =	vld.idx.msk [tilespmem:v14+s23+$0x0], $0xffff;
	[tilespmem:s15+$0xE0] =	vst v1  }
0x98: {  	s15 =	sadd.s32 $0x200, s15;
	v1 =	vld.idx.msk [tilespmem:v9+s23+$0x0], $0xffff  }
0x99: {  	v7 =	vld [tilespmem:s15+$0xF0]  }
0x9a: {  	v9 =	vld [tilespmem:s15+$0xFFFFFF00]  }
0x9b: {  	v11 =	vld [tilespmem:s15+$0xFFFFFF10]  }
0x9c: {  	v12 =	vld [tilespmem:s15+$0xFFFFFF20]  }
0x9d: {  	v13 =	vld [tilespmem:s15+$0xFFFFFF30]  }
0x9e: {  	v14 =	vld [tilespmem:s15+$0xFFFFFF40];
	v7 =	vmul.f32 v7, v1  }
0x9f: {  	v9 =	vmul.f32 v9, v5;
	v15 =	vld [tilespmem:s15+$0xFFFFFF50]  }
0xa0: {  	v11 =	vmul.f32 v11, v5;
	v16 =	vld [tilespmem:s15+$0xFFFFFF60];
	[tilespmem:s15+$0xF0] =	vst v7  }
0xa1: {  	[tilespmem:s15+$0xFFFFFF00] =	vst v9;
	v7 =	vmul.f32 v12, v5;
	v9 =	vld [tilespmem:s15+$0xFFFFFF70]  }
0xa2: {  	[tilespmem:s15+$0xFFFFFF10] =	vst v11;
	v5 =	vmul.f32 v13, v5;
	v11 =	vld [tilespmem:s15+$0xFFFFFF80]  }
0xa3: {  	[tilespmem:s15+$0xFFFFFF20] =	vst v7;
	v7 =	vmul.f32 v14, v8;
	v12 =	vld [tilespmem:s15+$0xFFFFFF90]  }
0xa4: {  	[tilespmem:s15+$0xFFFFFF30] =	vst v5;
	v5 =	vmul.f32 v15, v8;
	v13 =	vld [tilespmem:s15+$0xFFFFFFA0]  }
0xa5: {  	[tilespmem:s15+$0xFFFFFF40] =	vst v7;
	v7 =	vmul.f32 v16, v8;
	v14 =	vld [tilespmem:s15+$0xFFFFFFB0]  }
0xa6: {  	v15 =	vmov s17;
	[tilespmem:s15+$0xFFFFFF50] =	vst v5;
	v5 =	vmul.f32 v9, v8;
	v8 =	vld [tilespmem:s15+$0xFFFFFFC0]  }
0xa7: {  	s20 =	sadd.s32 $0x1, s17;
	s21 =	sadd.s32 $0x2, s17;
	v9 =	vshrl.u32 v15, $0x3;
	[tilespmem:s15+$0xFFFFFF60] =	vst v7;
	v7 =	vmul.f32 v11, v10;
	v11 =	vld [tilespmem:s15+$0xFFFFFFD0]  }
0xa8: {  	v16 =	vmov s21;
	s21 =	sadd.s32 $0x4, s17;
	v15 =	vmov s20;
	s20 =	sadd.s32 $0x3, s17;
	[tilespmem:s15+$0xFFFFFF70] =	vst v5;
	v5 =	vmul.f32 v12, v10;
	v12 =	vld [tilespmem:s15+$0xFFFFFFE0]  }
0xa9: {  	v18 =	vmov s21;
	s21 =	sadd.s32 $0x6, s17;
	v17 =	vmov s20;
	s20 =	sadd.s32 $0x5, s17;
	[tilespmem:s15+$0xFFFFFF80] =	vst v7;
	v7 =	vmul.f32 v13, v10;
	v13 =	vld [tilespmem:s15+$0xFFFFFFF0]  }
0xaa: {  	v20 =	vmov s21;
	v19 =	vmov s20;
	[tilespmem:s15+$0xFFFFFF90] =	vst v5;
	v5 =	vmul.f32 v14, v10;
	v10 =	vld [tilespmem:s15+$0x0]  }
0xab: {  	v9 =	vshll.u32 v9, v0;
	v14 =	vshrl.u32 v15, $0x3;
	[tilespmem:s15+$0xFFFFFFA0] =	vst v7;
	v7 =	vmul.f32 v8, v6;
	v8 =	vld [tilespmem:s15+$0x10]  }
0xac: {  	v15 =	vshrl.u32 v16, $0x3;
	v16 =	vshrl.u32 v17, $0x3;
	[tilespmem:s15+$0xFFFFFFB0] =	vst v5;
	v11 =	vmul.f32 v11, v6;
	v17 =	vld [tilespmem:s15+$0x20]  }
0xad: {  	v18 =	vshrl.u32 v18, $0x3;
	v19 =	vshrl.u32 v19, $0x3;
	[tilespmem:s15+$0xFFFFFFC0] =	vst v7;
	v7 =	vmul.f32 v12, v6;
	v12 =	vld [tilespmem:s15+$0x30]  }
0xae: {  	v5 =	vbroadcast v9, $0x0;
	v9 =	vshrl.u32 v20, $0x3;
	[tilespmem:s15+$0xFFFFFFD0] =	vst v11;
	v6 =	vmul.f32 v13, v6;
	v11 =	vld [tilespmem:s15+$0x40]  }
0xaf: {  	v13 =	vshll.u32 v14, v0;
	v14 =	vshll.u32 v15, v0;
	[tilespmem:s15+$0xFFFFFFE0] =	vst v7;
	v7 =	vmul.f32 v10, v4;
	v10 =	vld [tilespmem:s15+$0x50]  }
0xb0: {  	v18 =	vshll.u32 v18, v0;
	v15 =	vshll.u32 v16, v0;
	[tilespmem:s15+$0xFFFFFFF0] =	vst v6;
	v8 =	vmul.f32 v8, v4;
	v20 =	vld [tilespmem:s15+$0x60]  }
.Ltmp2:
0xb1: {  	v19 =	vshll.u32 v19, v0;
	v21 =	vshll.u32 v9, v0;
	[tilespmem:s15+$0x0] =	vst v7;
	v7 =	vmul.f32 v17, v4;
	v6 =	vld [tilespmem:s15+$0x70];
	(pc) =	sbr.rel @p5 .LBB2_3-.Ltmp2, $4  }
0xb2: {  	v9 =	vadd.s32 $0x1, v13;
	v14 =	vadd.s32 $0x2, v14;
	[tilespmem:s15+$0x10] =	vst v8;
	v8 =	vmul.f32 v12, v4;
	v4 =	vld [tilespmem:s15+$0x80]  }
0xb3: {  	v16 =	vadd.s32 $0x3, v15;
	v12 =	vadd.s32 $0x4, v18;
	[tilespmem:s15+$0x20] =	vst v7;
	v17 =	vmul.f32 v11, v3;
	v7 =	vld [tilespmem:s15+$0x90]  }
0xb4: {  	v13 =	vadd.s32 $0x5, v19;
	v9 =	vbroadcast v9, $0x0;
	[tilespmem:s15+$0x30] =	vst v8;
	v15 =	vmul.f32 v10, v3;
	v8 =	vld [tilespmem:s15+$0xA0]  }
0xb5: {  	s20 =	sadd.s32 $0x7, s17;
	s17 =	sadd.s32 $0x8, s17;
	v11 =	vbroadcast v14, $0x0;
	v14 =	vadd.s32 $0x6, v21;
	[tilespmem:s15+$0x40] =	vst v17;
	v17 =	vmul.f32 v20, v3;
	v10 =	vld [tilespmem:s15+$0xB0]  }
0xb6: {  	_ = 	snop  }
0xb7: {  	v19 =	vld [tilespmem:s15+$0xC0]  }
0xb8: {  	v20 =	vld [tilespmem:s15+$0xD0]  }
0xb9: {  	v21 =	vld [tilespmem:s15+$0xE0]  }
0xba: {  	v5 =	vld.idx.msk [tilespmem:v5+s23+$0x0], $0xffff  }
0xbb: {  	v9 =	vld.idx.msk [tilespmem:v9+s23+$0x0], $0xffff  }
0xbc: {  	s17 =	sadd.s32 $0x200, s15;
	v11 =	vld.idx.msk [tilespmem:v11+s23+$0x0], $0xffff  }
0xbd: {  	v39 =	vld [tilespmem:s17+$0xF0]  }
0xbe: {  	v18 =	vmov s20;
	v3 =	vmul.f32 v6, v3;
	v41 =	vld [tilespmem:s17+$0xFFFFFF10]  }
0xbf: {  	[tilespmem:s15+$0x50] =	vst v15;
	v18 =	vshrl.u32 v18, $0x3;
	v42 =	vld [tilespmem:s17+$0xFFFFFF20]  }
0xc0: {  	v43 =	vld [tilespmem:s17+$0xFFFFFF30];
	v18 =	vshll.u32 v18, v0;
	[tilespmem:s15+$0x70] =	vst v3;
	v3 =	vmul.f32 v7, v2  }
0xc1: {  	[tilespmem:s15+$0x60] =	vst v17;
	v4 =	vmul.f32 v4, v2;
	v44 =	vld [tilespmem:s17+$0xFFFFFF60];
	v18 =	vadd.s32 $0x7, v18;
	v38 =	vmul.f32 v8, v2  }
0xc2: {  	v18 =	vbroadcast v18, $0x0;
	[tilespmem:s15+$0x90] =	vst v3;
	v2 =	vmul.f32 v10, v2;
	v3 =	vld [tilespmem:s17+$0xFFFFFF00]  }
0xc3: {  	v45 =	vld [tilespmem:s17+$0xFFFFFF70];
	[tilespmem:s15+$0x80] =	vst v4  }
0xc4: {  	v46 =	vld [tilespmem:s17+$0xFFFFFF80];
	[tilespmem:s15+$0xB0] =	vst v2;
	v2 =	vmul.f32 v20, v1  }
0xc5: {  	v47 =	vld [tilespmem:s17+$0xFFFFFFA0];
	[tilespmem:s15+$0xA0] =	vst v38;
	v40 =	vmul.f32 v19, v1;
	v1 =	vmul.f32 v21, v1  }
0xc6: {  	[tilespmem:s15+$0xD0] =	vst v2;
	v2 =	vld [tilespmem:s17+$0xFFFFFF40]  }
0xc7: {  	[tilespmem:s15+$0xE0] =	vst v1;
	v1 =	vmul.f32 v3, v5;
	v3 =	vld [tilespmem:s17+$0xFFFFFF50]  }
0xc8: {  	v10 =	vmul.f32 v41, v5;
	[tilespmem:s15+$0xC0] =	vst v40;
	v37 =	vld.idx.msk [tilespmem:v18+s23+$0x0], $0xffff  }
0xc9: {  	v16 =	vbroadcast v16, $0x0;
	v48 =	vld [tilespmem:s17+$0xFFFFFFB0];
	[tilespmem:s17+$0xFFFFFF00] =	vst v1;
	v1 =	vmul.f32 v42, v5  }
0xca: {  	v49 =	vld [tilespmem:s17+$0xFFFFFFC0];
	v4 =	vmul.f32 v43, v5;
	[tilespmem:s17+$0xFFFFFF10] =	vst v10  }
0xcb: {  	v50 =	vld [tilespmem:s17+$0xFFFFFFD0];
	[tilespmem:s17+$0xFFFFFF20] =	vst v1;
	v1 =	vmul.f32 v2, v9  }
0xcc: {  	[tilespmem:s17+$0xFFFFFF30] =	vst v4;
	v2 =	vld [tilespmem:s17+$0xFFFFFF90];
	v3 =	vmul.f32 v3, v9  }
0xcd: {  	v12 =	vbroadcast v12, $0x0;
	v51 =	vld [tilespmem:s17+$0xFFFFFFF0];
	v8 =	vmul.f32 v39, v37;
	[tilespmem:s17+$0xFFFFFF40] =	vst v1  }
0xce: {  	v52 =	vld [tilespmem:s17+$0x0];
	v1 =	vmul.f32 v44, v9;
	[tilespmem:s17+$0xFFFFFF50] =	vst v3  }
0xcf: {  	v16 =	vld.idx.msk [tilespmem:v16+s23+$0x0], $0xffff;
	v3 =	vmul.f32 v45, v9;
	[tilespmem:s17+$0xF0] =	vst v8  }
0xd0: {  	v53 =	vld [tilespmem:s17+$0x10];
	[tilespmem:s17+$0xFFFFFF60] =	vst v1;
	v1 =	vmul.f32 v46, v11  }
0xd1: {  	v13 =	vbroadcast v13, $0x0;
	[tilespmem:s17+$0xFFFFFF70] =	vst v3;
	v2 =	vmul.f32 v2, v11;
	v3 =	vld [tilespmem:s17+$0xFFFFFFE0]  }
0xd2: {  	v54 =	vld [tilespmem:s17+$0x20];
	[tilespmem:s17+$0xFFFFFF80] =	vst v1;
	v1 =	vmul.f32 v47, v11  }
0xd3: {  	v12 =	vld.idx.msk [tilespmem:v12+s23+$0x0], $0xffff;
	[tilespmem:s17+$0xFFFFFF90] =	vst v2;
	v2 =	vmul.f32 v48, v11  }
0xd4: {  	v14 =	vbroadcast v14, $0x0;
	v55 =	vld [tilespmem:s17+$0x40];
	[tilespmem:s17+$0xFFFFFFA0] =	vst v1;
	v1 =	vmul.f32 v49, v16  }
0xd5: {  	v56 =	vld [tilespmem:s17+$0x50];
	[tilespmem:s17+$0xFFFFFFB0] =	vst v2;
	v2 =	vmul.f32 v50, v16  }
0xd6: {  	[tilespmem:s17+$0xFFFFFFC0] =	vst v1;
	v1 =	vmul.f32 v3, v16;
	v3 =	vld [tilespmem:s17+$0x30]  }
0xd7: {  	v35 =	vld.idx.msk [tilespmem:v13+s23+$0x0], $0xffff;
	[tilespmem:s17+$0xFFFFFFD0] =	vst v2;
	v2 =	vmul.f32 v51, v16  }
0xd8: {  	v57 =	vld [tilespmem:s17+$0x60];
	[tilespmem:s17+$0xFFFFFFE0] =	vst v1;
	v1 =	vmul.f32 v52, v12  }
0xd9: {  	v58 =	vld [tilespmem:s17+$0x70];
	[tilespmem:s17+$0xFFFFFFF0] =	vst v2;
	v2 =	vmul.f32 v53, v12  }
0xda: {  	v36 =	vld.idx.msk [tilespmem:v14+s23+$0x0], $0xffff;
	[tilespmem:s17+$0x0] =	vst v1;
	v1 =	vmul.f32 v54, v12  }
0xdb: {  	[tilespmem:s17+$0x10] =	vst v2;
	v2 =	vmul.f32 v3, v12;
	v3 =	vld [tilespmem:s17+$0x80]  }
0xdc: {  	v59 =	vld [tilespmem:s17+$0x90];
	[tilespmem:s17+$0x20] =	vst v1;
	v1 =	vmul.f32 v55, v35  }
0xdd: {  	v60 =	vld [tilespmem:s17+$0xA0];
	[tilespmem:s17+$0x30] =	vst v2;
	v2 =	vmul.f32 v56, v35  }
0xde: {  	v61 =	vld [tilespmem:s17+$0xB0];
	[tilespmem:s17+$0x40] =	vst v1;
	v1 =	vmul.f32 v57, v35  }
0xdf: {  	v62 =	vld [tilespmem:s17+$0xC0];
	[tilespmem:s17+$0x50] =	vst v2;
	v2 =	vmul.f32 v58, v35  }
0xe0: {  	[tilespmem:s17+$0x60] =	vst v1;
	v1 =	vmul.f32 v3, v36;
	v3 =	vld [tilespmem:s17+$0xD0]  }
0xe1: {  	v63 =	vld [tilespmem:s17+$0xE0];
	[tilespmem:s17+$0x70] =	vst v2;
	v2 =	vmul.f32 v59, v36  }
0xe2: {  	[tilespmem:s17+$0x80] =	vst v1;
	v1 =	vmul.f32 v60, v36  }
0xe3: {  	[tilespmem:s17+$0x90] =	vst v2;
	v2 =	vmul.f32 v61, v36  }
0xe4: {  	[tilespmem:s17+$0xA0] =	vst v1;
	v1 =	vmul.f32 v62, v37  }
0xe5: {  	[tilespmem:s17+$0xB0] =	vst v2;
	v2 =	vmul.f32 v3, v37  }
0xe6: {  	[tilespmem:s17+$0xC0] =	vst v1;
	v1 =	vmul.f32 v63, v37  }
0xe7: {  	[tilespmem:s17+$0xD0] =	vst v2  }
0xe8: {  	[tilespmem:s17+$0xE0] =	vst v1  }
0xe9: {  	[spmem:s1] =	stream.indirect.scatter.add.f32 [tilespmem:s26], [sflag:$0x3], $0x40, s22, s25, $0xb8;
	[tilespmem:$0x1A840] =	vst v63  }
0xea: {  	s20 =	simm.s32 $0x480  }
0xeb: {  	[spmem:s1] =	stream.indirect.scatter.add.f32 [tilespmem:s28], [sflag:$0x3], $0x40, s20, s25, $0xb8;
	[tilespmem:$0x1A840] =	vst v63  }
0xec: {  	s21 =	simm.s32 $0x500  }
0xed: {  	[spmem:s1] =	stream.indirect.scatter.add.f32 [tilespmem:s30], [sflag:$0x3], $0x40, s21, s25, $0xb8;
	[tilespmem:$0x1A840] =	vst v63  }
0xee: {  	_ = 	snop  }
0xef: {  	[spmem:s1] =	stream.indirect.scatter.add.f32 [tilespmem:s0], [sflag:$0x3], $0x40, s2, s25, $0xb8;
	[tilespmem:$0x1A840] =	vst v63  }
0xf0: {  	_ = 	snop  }
0xf1: {  	[spmem:s1] =	stream.indirect.scatter.add.f32 [tilespmem:s12], [sflag:$0x3], $0x40, s14, s25, $0xb8;
	[tilespmem:$0x1A840] =	vst v63  }
0xf2: {  	_ = 	snop  }
0xf3: {  	[spmem:s1] =	stream.indirect.scatter.add.f32 [tilespmem:s13], [sflag:$0x3], $0x40, s3, s25, $0xb8;
	[tilespmem:$0x1A840] =	vst v63  }
0xf4: {  	_ = 	snop  }
0xf5: {  	[spmem:s1] =	stream.indirect.scatter.add.f32 [tilespmem:s16], [sflag:$0x3], $0x40, s29, s25, $0xb8;
	[tilespmem:$0x1A840] =	vst v63  }
0xf6: {  	_ = 	snop  }
0xf7: {  	[spmem:s1] =	stream.indirect.scatter.add.f32 [tilespmem:s18], [sflag:$0x3], $0x40, s31, s25, $0xb8;
	[tilespmem:$0x1A840] =	vst v63  }
0xf8: {  	_ =	swait.ge [sflag:s9], $0x2000  }
0xf9: {  	[sflag:s9] =	ssyncset.done $0x0  }
0xfa: {  	[sflag:s9] =	ssyncadd.s32 $0xFFFFE000  }
0xfb: {  	_ =	swait.ge [sflag:s9], $0x2000  }
0xfc: {  	[sflag:s9] =	ssyncset.done $0x0  }
0xfd: {  	[sflag:s9] =	ssyncadd.s32 $0xFFFFE000  }
0xfe: {  	_ =	swait.ge [sflag:s9], $0x2000  }
0xff: {  	[sflag:s9] =	ssyncset.done $0x0  }
0x100: {  	[sflag:s9] =	ssyncadd.s32 $0xFFFFE000  }
0x101: {  	_ =	swait.ge [sflag:s9], $0x2000  }
0x102: {  	[sflag:s9] =	ssyncset.done $0x0  }
0x103: {  	[sflag:s9] =	ssyncadd.s32 $0xFFFFE000  }
0x104: {  	_ =	swait.ge [sflag:s9], $0x2000  }
0x105: {  	[sflag:s9] =	ssyncset.done $0x0  }
0x106: {  	[sflag:s9] =	ssyncadd.s32 $0xFFFFE000  }
0x107: {  	_ =	swait.ge [sflag:s9], $0x2000  }
0x108: {  	[sflag:s9] =	ssyncset.done $0x0  }
0x109: {  	s10 =	sadd.s32 $0x1, s10;
	[sflag:s9] =	ssyncadd.s32 $0xFFFFE000  }
0x10a: {  	p5 =	sne.s32 s10, $0xA;
	_ =	swait.ge [sflag:s9], $0x2000  }
.Ltmp3:
0x10b: {  	[sflag:s9] =	ssyncset.done $0x0;
	(pc) =	sbr.rel @p5 .LBB2_2-.Ltmp3, $4  }
0x10c: {  	[sflag:s9] =	ssyncadd.s32 $0xFFFFE000  }
0x10d: {  	_ =	swait.ge [sflag:s9], $0x2000  }
0x10e: {  	[sflag:s9] =	ssyncset.done $0x0  }
0x10f: {  	[sflag:s9] =	ssyncadd.s32 $0xFFFFE000  }
0x110: {  	[bflag:$0x0] =	sbarrier.arrive $0xFFFF  }
0x111: {  	s20 =	stileid.u32;
	p5 =	por @!p4 $0x1, $0x1;
	s21 =	rddreg [dreg:$0x8]  }
0x112: {  	p6 =	por p1, p1;
	s10 =	sshll.u32 @p2 s20, $0x6;
	s17 =	rddreg [dreg:$0xa]  }
0x113: {  	p6 =	por @!p4 p5, p5;
	s10 =	sor.u32 @p2 $0x1C04, s10;
	s15 =	sshrl.u32 @p2 s21, $0x3  }
0x114: {  	[hbm:s17], [sflag:s10] =	dma.local @p2 [spmem:s15], $0x13C0  }
0x115: {  	p5 =	por @!p3 !p6, !p0;
	s10 =	simm.s32 @p2 $0x4  }
0x116: {  	s15 =	sshll.u32 @!p4 s20, $0x6;
	p5 =	por @!p3 !p5, !p5;
	_ =	swait.ge @p2 [sflag:s10], $0x13C0  }
0x117: {  	p5 =	por p3, p5;
	[sflag:s10] =	ssyncset.done @p2 $0x0;
	s20 =	rddreg [dreg:$0xb]  }
0x118: {  	[sflag:s10] =	ssyncadd.s32 @p2 $0xFFFFEC40;
	s10 =	sor.u32 @!p4 $0x1C04, s15;
	s15 =	sshrl.u32 @!p4 s21, $0x3  }
0x119: {  	[hbm:s20], [sflag:s10] =	dma.local @!p4 [spmem:s15], $0x13C0  }
.Ltmp4:
0x11a: {  	_ = 	snop;
	(pc) =	sbr.rel @!p5 .LBB2_7-.Ltmp4, $4  }
0x11b: {  	s10 =	simm.s32 @!p4 $0x4  }
0x11c: {  	_ =	swait.ge @!p4 [sflag:s10], $0x13C0  }
0x11d: {  	[sflag:s10] =	ssyncset.done @!p4 $0x0  }
0x11e: {  	s17 =	stileid.u32;
	s20 =	rddreg [dreg:$0x3];
	[sflag:s10] =	ssyncadd.s32 @!p4 $0xFFFFEC40  }
0x11f: {  	s10 =	rddreg [dreg:$0x5]  }
0x120: {  	s15 =	rddreg [dreg:$0x4]  }
0x121: {  	s21 =	rddreg [dreg:$0x6];
	s10 =	smov.u32 @p3 s15  }
0x122: {  	s15 =	sshrl.u32 s21, $0x3;
	s21 =	simm.s32 $0x1FC4;
	s10 =	sadd.s32 $0x12840, s10  }
0x123: {  	[hbm:s10], [sflag:s21] =	dma.local [spmem:s15], $0x1040  }
.Ltmp5:
0x124: {  	_ = 	snop;
	(pc) =	sbr.rel .LBB2_7-.Ltmp5, $4  }
0x125: {  	s21 =	simm.s32 $0x4  }
0x126: {  	_ =	swait.ge [sflag:s21], $0x1040  }
0x127: {  	[sflag:s21] =	ssyncset.done $0x0  }
0x128: {  	[sflag:s21] =	ssyncadd.s32 $0xFFFFEFC0  }
.LBB2_8:
0x129: {  	_ =	sfence.sel $0x180000  }
0x12a: {  	[bflag:$0x0] =	sbarrier.arrive $0xFFFF  }
0x12b: {  	_ =	strace $0x90000047  }
0x12c: {  	[bflag:$0x2] =	sbarrier.arrive $0xFFFF  }
0x12d: {  	p0 =	sne.s32 s17, $0x0;
	s0 =	rddreg [dreg:$0x2]  }
0x12e: {  	s0 =	sadd.s32 @!p0 $0x100000, s0  }
0x12f: {  	[sflag:s0] =	ssyncadd.tile.s32 @!p0 $0x1;
	_ =	shalt  }
.Lfunc_end2:
_tile_overlayer_lowered:
.L_overlay_start_2:
0x130: {  	(tag) =	ssettag $0x2  }
0x131: {  	s0 =	rddreg [dreg:$0x0];
	s2 =	stileid.u32  }
0x132: {  	s1 =	rddreg [dreg:$0x1];
	p0 =	sne.s32 s2, $0x0  }
0x133: {  	s3 =	rddreg [dreg:$0x2];
	[bflag:$0x3] =	sbarrier.arrive $0xFFFF;
	s2 =	simm.s32 @!p0 $0x1C04  }
0x134: {  	[timem:s3], [sflag:s2] =	dma.local @!p0 [hbm:s0], s1  }
0x135: {  	s0 =	simm.s32 @!p0 $0x4  }
0x136: {  	_ =	swait.ge @!p0 [sflag:s0], s1  }
0x137: {  	s1 =	ssub.s32 @!p0 $0x0, s1;
	[sflag:s0] =	ssyncset.done @!p0 $0x0  }
0x138: {  	[sflag:s0] =	ssyncadd.s32 @!p0 s1  }
0x139: {  	[bflag:$0x3] =	sbarrier.arrive $0xFFFF  }
0x13a: {  	_ =	shalt  }

// kernel: kernel.9.cloned.1.call-start
scs
__scs_entry_jumppad:
0x0: {  	(pc) =	sbr.rel $0x88, $3  }
0x1: {  	(tag) =	ssettag $0x0;
	lr =	simm.s32 $0x1  }
0x2: {  	[smem:$0x3F8B] =	sst lr;
	_ =	strace $0xD0000000  }
0x3: {  	_ = 	snop  }
0x4: {  	_ = 	snop  }
0x5: {  	_ = 	snop  }
0x6: {  	_ = 	snop  }
0x7: {  	_ = 	snop  }
__scs_overlays_trampoline_lowered:
0x8: {  	[smem:$0x3F9A] =	sst s0  }
0x9: {  	[smem:$0x3F9B] =	sst s1  }
0xa: {  	[smem:$0x3F9C] =	sst s2  }
0xb: {  	[smem:$0x3F9D] =	sst s3  }
0xc: {  	[smem:$0x3F9E] =	sst s4  }
0xd: {  	[smem:$0x3F9F] =	sst s5  }
0xe: {  	[smem:$0x3FA0] =	sst s6  }
0xf: {  	[smem:$0x3FA1] =	sst s7  }
0x10: {  	[smem:$0x3FA2] =	sst s8  }
0x11: {  	[smem:$0x3FA3] =	sst s9;
	s0 =	simm.s32 @!p0 $0x0  }
0x12: {  	s1 =	sld [smem:$0x3F89];
	s0 =	simm.s32 @p0 $0x1  }
0x13: {  	[smem:$0x3FA4] =	sst s0;
	s0 =	simm.s32 @!p1 $0x0  }
0x14: {  	s2 =	sld [smem:$0x3F88];
	s0 =	simm.s32 @p1 $0x1  }
0x15: {  	[smem:$0x3FA5] =	sst s0;
	s0 =	simm.s32 @!p2 $0x0  }
0x16: {  	s3 =	sld [smem:$0x3FDB];
	s0 =	simm.s32 @p2 $0x1  }
0x17: {  	s4 =	simm.s32 $0x1BF5;
	[smem:$0x3FA7] =	sst s0  }
0x18: {  	s0 =	sld [smem:$0x3F8A];
	_ =	swait.ge [sflag:s4], $0x0  }
0x19: {  	s7 =	sld [smem:$0x3F8B]  }
0x1a: {  	s8 =	sadd.s32 $0xFFFFE003, lr  }
0x1b: {  	s9 =	sadd.s32 $0xFFFFFEF7, lr;
	s5 =	simm.s32 $0xFFFFFFFF;
	p2 =	slt.u32 s8, $0xFFFFF086  }
0x1c: {  	p1 =	slt.u32 s9, $0xF7A;
	s5 =	simm.s32 @!p2 $0x0  }
0x1d: {  	s5 =	simm.s32 @p1 $0x1;
	p0 =	seq.s32 s7, s2  }
0x1e: {  	s7 =	smul.u32 @!p0 $0xF7A, s2;
	p2 =	seq.s32 @!p0 s5, $0x0  }
0x1f: {  	s9 =	smul.u32 $0xF7A, s1;
	s8 =	simm.s32 @!p0 $0x1BF5;
	p2 =	por !p2, p0  }
0x20: {  	[sflag:s8] =	ssyncset.s32 @!p0 $0xFFFFF086;
	s6 =	sadd.s32 @!p0 s3, s7;
	s7 =	simm.s32 @!p0 $0x108  }
0x21: {  	s3 =	sadd.s32 s3, s9;
	s6 =	sadd.s32 @!p0 $0x88, s6;
	s7 =	simm.s32 @p2 $0x1082  }
0x22: {  	[simem:s7], [sflag:s8] =	dma.local @!p0 [hbm:s6], $0xF7A  }
0x23: {  	s9 =	sor.u32 $0xD0000000, s2;
	s6 =	simm.s32 $0x108;
	_ =	swait.ge @!p0 [sflag:s8], $0x0  }
0x24: {  	s3 =	sadd.s32 $0x88, s3;
	s6 =	simm.s32 @!p1 $0x1082;
	[sflag:s4] =	ssyncset.s32 $0xFFFFF086  }
0x25: {  	[simem:s6], [sflag:s4] =	dma.local [hbm:s3], $0xF7A  }
0x26: {  	[smem:$0x3F8B] =	sst s1;
	(tag) =	ssettag s2;
	_ =	strace s9  }
0x27: {  	s1 =	sld [smem:$0x3F9B]  }
0x28: {  	s2 =	sld [smem:$0x3F9C]  }
0x29: {  	s4 =	sld [smem:$0x3F9E]  }
0x2a: {  	p0 =	seq.s32 s5, $0x0;
	s5 =	sld [smem:$0x3F9F]  }
0x2b: {  	s6 =	sld [smem:$0x3FA0]  }
0x2c: {  	s7 =	sld [smem:$0x3FA1]  }
0x2d: {  	s3 =	simm.s32 $0x108;
	s8 =	sld [smem:$0x3FA2]  }
0x2e: {  	s3 =	simm.s32 @!p0 $0x1082;
	s9 =	sld [smem:$0x3FA3]  }
0x2f: {  	lr =	sadd.s32 s0, s3;
	s0 =	sld [smem:$0x3F9A]  }
0x30: {  	s3 =	sld [smem:$0x3F9D]  }
0x31: {  	[smem:$0x3FA6] =	sst s10  }
0x32: {  	s10 =	sld [smem:$0x3FA4];
	_ =	sdelay $0x3  }
0x33: {  	p0 =	seq.s32 s10, $0x1;
	s10 =	sld [smem:$0x3FA6];
	_ =	sdelay $0x3  }
0x34: {  	[smem:$0x3FA6] =	sst s10  }
0x35: {  	s10 =	sld [smem:$0x3FA5];
	_ =	sdelay $0x3  }
0x36: {  	p1 =	seq.s32 s10, $0x1;
	s10 =	sld [smem:$0x3FA6];
	_ =	sdelay $0x3  }
0x37: {  	[smem:$0x3FA6] =	sst s10  }
0x38: {  	s10 =	sld [smem:$0x3FA7]  }
0x39: {  	_ = 	snop;
	(pc) =	sbr.ind lr, $3  }
0x3a: {  	_ = 	snop  }
0x3b: {  	_ = 	snop  }
0x3c: {  	p2 =	seq.s32 s10, $0x1;
	s10 =	sld [smem:$0x3FA6]  }
0x3d: {  	_ =	shalt  }
0x3e: {  	_ =	shalt  }
0x3f: {  	_ =	shalt  }
0x40: {  	_ =	shalt  }
0x41: {  	_ =	shalt  }
0x42: {  	_ =	shalt  }
0x43: {  	_ =	shalt  }
0x44: {  	_ =	shalt  }
0x45: {  	_ =	shalt  }
0x46: {  	_ =	shalt  }
0x47: {  	_ =	shalt  }
0x48: {  	_ =	shalt  }
0x49: {  	_ =	shalt  }
0x4a: {  	_ =	shalt  }
0x4b: {  	_ =	shalt  }
0x4c: {  	_ =	shalt  }
0x4d: {  	_ =	shalt  }
0x4e: {  	_ =	shalt  }
0x4f: {  	_ =	shalt  }
0x50: {  	_ =	shalt  }
0x51: {  	_ =	shalt  }
0x52: {  	_ =	shalt  }
0x53: {  	_ =	shalt  }
0x54: {  	_ =	shalt  }
0x55: {  	_ =	shalt  }
0x56: {  	_ =	shalt  }
0x57: {  	_ =	shalt  }
0x58: {  	_ =	shalt  }
0x59: {  	_ =	shalt  }
0x5a: {  	_ =	shalt  }
0x5b: {  	_ =	shalt  }
0x5c: {  	_ =	shalt  }
0x5d: {  	_ =	shalt  }
0x5e: {  	_ =	shalt  }
0x5f: {  	_ =	shalt  }
0x60: {  	_ =	shalt  }
0x61: {  	_ =	shalt  }
0x62: {  	_ =	shalt  }
0x63: {  	_ =	shalt  }
0x64: {  	_ =	shalt  }
0x65: {  	_ =	shalt  }
0x66: {  	_ =	shalt  }
0x67: {  	_ =	shalt  }
0x68: {  	_ =	shalt  }
0x69: {  	_ =	shalt  }
0x6a: {  	_ =	shalt  }
0x6b: {  	_ =	shalt  }
0x6c: {  	_ =	shalt  }
0x6d: {  	_ =	shalt  }
0x6e: {  	_ =	shalt  }
0x6f: {  	_ =	shalt  }
0x70: {  	_ =	shalt  }
0x71: {  	_ =	shalt  }
0x72: {  	_ =	shalt  }
0x73: {  	_ =	shalt  }
0x74: {  	_ =	shalt  }
0x75: {  	_ =	shalt  }
0x76: {  	_ =	shalt  }
0x77: {  	_ =	shalt  }
0x78: {  	_ =	shalt  }
0x79: {  	_ =	shalt  }
0x7a: {  	_ =	shalt  }
0x7b: {  	_ =	shalt  }
0x7c: {  	_ =	shalt  }
0x7d: {  	_ =	shalt  }
0x7e: {  	_ =	shalt  }
0x7f: {  	_ =	shalt  }
0x80: {  	_ =	shalt  }
0x81: {  	_ =	shalt  }
0x82: {  	_ =	shalt  }
0x83: {  	_ =	shalt  }
0x84: {  	_ =	shalt  }
0x85: {  	_ =	shalt  }
0x86: {  	_ =	shalt  }
0x87: {  	_ =	shalt  }
.Lfunc_end0:
.L_simem_size_0:
called_computation.1_lowered:
.L_overlay_start_0:
0x88: {  	s2 =	sld [smem:$0x3FD9]  }
0x89: {  	s3 =	sld [smem:$0x3FFE];
	_ =	sdelay $0x1  }
0x8a: {  	s1 =	srdreg.scid  }
0x8b: {  	s0 =	sand.u32 $0x1, s1  }
0x8c: {  	s17 =	sshll.u32 s0, $0xA;
	s2 =	sadd.s32 s3, s2  }
0x8d: {  	s2 =	sadd.s32 s2, s17  }
0x8e: {  	[smem:$0x3FB2] =	sst s2  }
0x8f: {  	_ = 	snop  }
0x90: {  	s2 =	sld [smem:$0x3FC6]  }
0x91: {  	s18 =	sld [smem:$0x3FD0];
	(tm) =	ssettm $0x1  }
0x92: {  	s4 =	sld [smem:$0x3FFB];
	_ =	sdelay $0x3  }
0x93: {  	_ =	strace s4  }
0x94: {  	s4 =	sld [smem:$0x3FFC];
	_ =	sdelay $0x3  }
0x95: {  	_ =	strace s4  }
0x96: {  	s4 =	sld [smem:$0x3FFD];
	_ =	sdelay $0x3  }
0x97: {  	_ =	strace s4  }
0x98: {  	_ =	strace $0x8FFFFFFF  }
0x99: {  	s19 =	sld [smem:$0x3FDB];
	_ =	sdelay $0x1  }
0x9a: {  	s5 =	simm.s32 $_scs_section_size  }
0x9b: {  	s6 =	simm.s32 $_size__tile_overlayer_lowered;
	s7 =	simm.s32 $_tile_overlayer_lowered  }
0x9c: {  	s22 =	simm.s32 $0x1BFF;
	s21 =	sshll.u32 s7, $0x1;
	s4 =	sadd.s32 s5, s19  }
0x9d: {  	s8 =	simm.s32 $0x0;
	s20 =	sshll.u32 s6, $0x1;
	s6 =	sadd.s32 s21, s4  }
0x9e: {  	[timem:s8], [sflag:s22] =	dma.local [hbm:s6], s20  }
0x9f: {  	_ =	swait.ge [sflag:s22], s20  }
0xa0: {  	s5 =	ssub.s32 $0x0, s20;
	[sflag:s22] =	ssyncset.done $0x0  }
0xa1: {  	[sflag:s22] =	ssyncadd.s32 s5;
	_ =	sdelay $0x1  }
0xa2: {  	s23 =	simm.s32 $0x1B8B  }
0xa3: {  	_ =	swait.ge [sflag:s23], $0x1  }
0xa4: {  	[sflag:s23] =	ssyncset.done $0x0  }
0xa5: {  	s25 =	simm.s32 $0x1B8E;
	s24 =	sld [smem:$0x3FFE];
	[sflag:s23] =	ssyncadd.s32 $0xFFFFFFFF  }
0xa6: {  	s26 =	simm.s32 $execute0_lowered;
	[smem:$0x3FD2] =	sst s25  }
0xa7: {  	s6 =	sshll.u32 s26, $0x1;
	_ =	strace $0x80000049;
	[dreg:$0x1] =	wrdreg $0xFFFFFFFF  }
0xa8: {  	s28 =	simm.s32 $_size_execute0_lowered;
	s4 =	sadd.s32 s4, s6;
	[dreg:$0x0] =	wrdreg $0x0  }
0xa9: {  	s6 =	sshll.u32 s28, $0x1;
	[dreg:$0x2] =	wrdreg s4  }
0xaa: {  	[dreg:$0x3] =	wrdreg s6  }
0xab: {  	[dreg:$0x4] =	wrdreg $0xC0  }
0xac: {  	_ =	task [dreg:s8], $0x5FFFF  }
0xad: {  	[dreg:$0x1] =	wrdreg $0xFFFFFFFF  }
0xae: {  	[dreg:$0x0] =	wrdreg $0x60  }
0xaf: {  	[dreg:$0x2] =	wrdreg s24  }
0xb0: {  	[dreg:$0x3] =	wrdreg s2  }
0xb1: {  	[dreg:$0x4] =	wrdreg s18  }
0xb2: {  	[dreg:$0x5] =	wrdreg $0x9  }
0xb3: {  	_ =	task.clear_ibuf [dreg:s8], $0x6FFFF;
	_ =	strace $0x90000049  }
0xb4: {  	s29 =	simm.s32 $0x9;
	_ =	strace $0x8000004B  }
0xb5: {  	_ =	swait.ge [sflag:s29], $0x1  }
0xb6: {  	[sflag:s29] =	ssyncadd.s32 $0xFFFFFFFF  }
0xb7: {  	_ =	strace $0x9000004B  }
0xb8: {  	_ =	sfence  }
0xb9: {  	s30 =	sld [smem:$0x0];
	_ =	sdelay $0x2  }
0xba: {  	s31 =	sshll.u32 s1, $0xD;
	s1 =	sshrl.u32 s1, $0x2  }
0xbb: {  	s3 =	sand.u32 $0x4000, s31;
	s1 =	sadd.s32 s1, s30  }
0xbc: {  	s0 =	sor.u32 s3, s0;
	s1 =	sshll.u32 s1, $0x11  }
0xbd: {  	s0 =	sor.u32 s1, s0  }
0xbe: {  	s0 =	sadd.s32 $0x8F2B, s0  }
0xbf: {  	[sflag:s0] =	ssyncadd.remote.s32 $0x1  }
0xc0: {  	_ =	sfence.sel $0xFFFF  }
0xc1: {  	[dreg:$0x0] =	wrdreg $0xFFFFFFFF;
	(pc) =	sbr.abs _section_cstart, $3  }
0xc2: {  	[dreg:$0x1] =	wrdreg $0xFFFFFFFF  }
0xc3: {  	_ =	task.clear_ibuf [dreg:s8], $0x2FFFF;
	_ =	strace $0x9FFFFFFF  }
0xc4: {  	(tm) =	ssettm $0x7FFFFFFF  }
0xc5: {  	_ =	shalt  }
tec
execute0_lowered:
.L_overlay_start_1:
0x0: {  	(tag) =	ssettag $0x1  }
0x1: {  	s5 =	rddreg [dreg:$0x0]  }
0x2: {  	s1 =	srdreg.scid;
	s3 =	rddreg [dreg:$0x1]  }
0x3: {  	s0 =	stileid.u32;
	s8 =	rddreg [dreg:$0x2];
	s6 =	sand.u32 $0x1, s1  }
0x4: {  	s2 =	simm.s32 $0x0;
	s4 =	sshll.u32 s0, $0x6;
	s7 =	sshll.u32 s6, $0x5  }
0x5: {  	[smem:$0x7FF] =	sst s2;
	s9 =	sor.u32 s7, s4  }
0x6: {  	s1 =	rddreg [dreg:$0x3];
	_ =	strace $0x8000004A;
	s4 =	sshrl.u32 s9, $0x3  }
0x7: {  	s10 =	ssub.s32 $0x2, s6;
	s4 =	sadd.s32 s3, s4;
	s3 =	simm.s32 $0x2  }
0x8: {  	[tilespmem:s2], [sflag:$0x2] =	stream.linear.gather [hbm4b:s4+s2], $0x20, $0x38;
	[tilespmem:$0x220] =	vst v63  }
0x9: {  	s5 =	sadd.s32 $0x3000, s5;
	s11 =	sshrl.u32 s10, $0x1;
	_ =	swait.ge [sflag:s3], $0x20  }
0xa: {  	s6 =	simm.s32 $0x20;
	s10 =	ssub.s32 s10, s11;
	[sflag:s3] =	ssyncset.done $0x0  }
0xb: {  	s7 =	simm.s32 $0x1;
	s31 =	smax.u32 s10, $0x1;
	[sflag:s3] =	ssyncadd.s32 $0xFFFFFFE0  }
0xc: {  	[tilespmem:s6], [sflag:$0x1] =	stream.indirect.gather [hbm4b:s5+s6], $0x10, s2, s6, $0xb8;
	[tilespmem:$0x220] =	vst v63  }
0xd: {  	p0 =	sne.s32 s31, $0x1;
	_ =	swait.ge [sflag:s7], $0x200  }
.Ltmp0:
0xe: {  	s9 =	sshll.u32 s9, $0x1;
	[sflag:s7] =	ssyncset.done $0x0;
	(pc) =	sbr.rel @!p0 .LBB2_2-.Ltmp0, $4  }
0xf: {  	s8 =	sadd.s32 s8, s9;
	[sflag:s7] =	ssyncadd.s32 $0xFFFFFE00  }
0x10: {  	[hbm4b:s8+s2] =	stream.linear.scatter [tilespmem:s6], [sflag:$0x2], $0x200, $0x38;
	[tilespmem:$0x220] =	vst v63  }
0x11: {  	_ =	swait.ge [sflag:s3], $0x200  }
0x12: {  	s9 =	sadd.s32 $0xFFFFFFFF, s31;
	[sflag:s3] =	ssyncset.done $0x0  }
.LBB2_1:
0x13: {  	p0 =	sne.s32 s9, $0x1;
	s9 =	sadd.s32 $0xFFFFFFFF, s9;
	[sflag:s3] =	ssyncadd.s32 $0xFFFFFE00  }
0x14: {  	[tilespmem:s2], [sflag:$0x2] =	stream.linear.gather [hbm4b:s4+s2], $0x20, $0x38;
	[tilespmem:$0x220] =	vst v63  }
0x15: {  	_ =	swait.ge [sflag:s3], $0x20  }
0x16: {  	[sflag:s3] =	ssyncset.done $0x0  }
0x17: {  	[sflag:s3] =	ssyncadd.s32 $0xFFFFFFE0  }
0x18: {  	[tilespmem:s6], [sflag:$0x1] =	stream.indirect.gather [hbm4b:s5+s6], $0x10, s2, s6, $0xb8;
	[tilespmem:$0x220] =	vst v63  }
0x19: {  	_ =	swait.ge [sflag:s7], $0x200  }
.Ltmp1:
0x1a: {  	[sflag:s7] =	ssyncset.done $0x0;
	(pc) =	sbr.rel @p0 .LBB2_1-.Ltmp1, $4  }
0x1b: {  	[sflag:s7] =	ssyncadd.s32 $0xFFFFFE00  }
0x1c: {  	[hbm4b:s8+s2] =	stream.linear.scatter [tilespmem:s6], [sflag:$0x2], $0x200, $0x38;
	[tilespmem:$0x220] =	vst v63  }
0x1d: {  	_ =	swait.ge [sflag:s3], $0x200  }
0x1e: {  	[sflag:s3] =	ssyncset.done $0x0  }
.LBB2_2:
0x1f: {  	[sflag:s3] =	ssyncadd.s32 $0xFFFFFE00  }
0x20: {  	_ =	sfence.sel $0x180000  }
0x21: {  	[bflag:$0x0] =	sbarrier.arrive $0xFFFF  }
0x22: {  	p0 =	sne.s32 s0, $0x0;
	_ =	strace $0x9000004A  }
0x23: {  	s0 =	sadd.s32 @!p0 $0x100000, s1;
	[bflag:$0x2] =	sbarrier.arrive $0xFFFF  }
0x24: {  	[sflag:s0] =	ssyncadd.tile.s32 @!p0 $0x1;
	_ =	shalt  }
.Lfunc_end2:
_tile_overlayer_lowered:
.L_overlay_start_2:
0x25: {  	(tag) =	ssettag $0x2  }
0x26: {  	s0 =	rddreg [dreg:$0x0];
	s2 =	stileid.u32  }
0x27: {  	s1 =	rddreg [dreg:$0x1];
	p0 =	sne.s32 s2, $0x0  }
0x28: {  	s3 =	rddreg [dreg:$0x2];
	[bflag:$0x3] =	sbarrier.arrive $0xFFFF;
	s2 =	simm.s32 @!p0 $0x1C02  }
0x29: {  	[timem:s3], [sflag:s2] =	dma.local @!p0 [hbm:s0], s1  }
0x2a: {  	s0 =	simm.s32 @!p0 $0x2  }
0x2b: {  	_ =	swait.ge @!p0 [sflag:s0], s1  }
0x2c: {  	s1 =	ssub.s32 @!p0 $0x0, s1;
	[sflag:s0] =	ssyncset.done @!p0 $0x0  }
0x2d: {  	[sflag:s0] =	ssyncadd.s32 @!p0 s1  }
0x2e: {  	[bflag:$0x3] =	sbarrier.arrive $0xFFFF  }
0x2f: {  	_ =	shalt  }

</sc_bundles>
